<compile_context>
chip_gen: v7x
topology: tpu7x:2x2x1
jax: 0.10.2.dev20260603
libtpu: 0.0.44.dev20260713+nightly
codegen_flags: <defaults>
</compile_context>

<pallas_src>
import functools

import jax
import jax.numpy as jnp
from jax import lax
from jax.experimental import pallas as pl
from jax.experimental.pallas import tpu as pltpu
from jax.experimental.pallas import tpu_sc as plsc

N = 4096
D = 32
NUM_BINS = 100
NBP = 256
BM = 1024
NT = N // BM
NTILES = NT * (NT + 1) // 2
DIAG_TILES = tuple(bi * NT + bi - (bi * (bi + 1)) // 2 for bi in range(NT))
NW = 32
TOTAL = NTILES * BM * BM
CHUNK = 16384
CHUNKS = TOTAL // (NW * CHUNK)
CHUNKS_PER_TILE = BM * BM // CHUNK
VECS_PER_CHUNK = CHUNK // 16
UNROLL = 16
BANKS = 64
HIST = BANKS * NBP


def _tc_idx_body(frows_ref, fcols_ref, labr_ref, labc_ref, boff_ref, out_ref,
                 mm_ref):
    p = pl.program_id(0)
    bi = pl.program_id(1)
    bj = pl.program_id(2)
    active = bj >= bi

    @pl.when(jnp.logical_and(p == 0, jnp.logical_and(bi == 0, bj == 0)))
    def _init():
        mm_ref[0] = jnp.inf
        mm_ref[1] = -jnp.inf

    @pl.when(jnp.logical_and(p == 0, active))
    def _minmax():
        frows = frows_ref[...]
        fcols = fcols_ref[...]
        sq_r = jnp.sum(frows * frows, axis=1, keepdims=True)
        sq_c = jnp.sum(fcols * fcols, axis=0, keepdims=True)
        g = jnp.dot(frows, fcols, preferred_element_type=jnp.float32)
        c = jnp.maximum(sq_r + sq_c - 2.0 * g, 0.0)
        mm_ref[0] = jnp.minimum(mm_ref[0], jnp.min(c))
        mm_ref[1] = jnp.maximum(mm_ref[1], jnp.max(c))

    @pl.when(jnp.logical_and(p == 1, active))
    def _binify():
        frows = frows_ref[...]
        fcols = fcols_ref[...]
        sq_r = jnp.sum(frows * frows, axis=1, keepdims=True)
        sq_c = jnp.sum(fcols * fcols, axis=0, keepdims=True)
        g = jnp.dot(frows, fcols, preferred_element_type=jnp.float32)
        c = jnp.maximum(sq_r + sq_c - 2.0 * g, 0.0)

        def sqrt_precise(x):
            r = lax.rsqrt(x)
            r = r * (1.5 - 0.5 * x * r * r)
            return x * r

        dist = sqrt_precise(c + 1e-12)
        mind = sqrt_precise(mm_ref[0] + 1e-12)
        maxd = sqrt_precise(mm_ref[1] + 1e-12)
        step = (maxd - mind) * 0.01
        r0 = 1.0 / step
        inv = r0 * (2.0 - step * r0)
        idx = jnp.clip(jnp.floor((dist - mind) * inv).astype(jnp.int32),
                       0, NUM_BINS - 1)
        pos = labr_ref[...] == labc_ref[...]
        out_ref[...] = (idx + jnp.where(pos, NUM_BINS, 0)
                        + boff_ref[...])[None]


def _tile_index(bi, bj):
    up = bi * NT + bj - (bi * (bi + 1)) // 2
    dg = bi * NT + bi - (bi * (bi + 1)) // 2
    return jnp.where(bj >= bi, up, dg)


def _tc_idx(features, ft, labr, labc, boff):
    return pl.pallas_call(
        _tc_idx_body,
        grid=(2, NT, NT),
        in_specs=[
            pl.BlockSpec((BM, D), lambda p, bi, bj: (bi, 0)),
            pl.BlockSpec((D, BM), lambda p, bi, bj: (0, bj)),
            pl.BlockSpec((BM, 1), lambda p, bi, bj: (bi, 0)),
            pl.BlockSpec((1, BM), lambda p, bi, bj: (0, bj)),
            pl.BlockSpec((1, BM), lambda p, bi, bj: (0, 0)),
        ],
        out_specs=pl.BlockSpec(
            (1, BM, BM), lambda p, bi, bj: (_tile_index(bi, bj), 0, 0)),
        out_shape=jax.ShapeDtypeStruct((NTILES, BM, BM), jnp.int32),
        scratch_shapes=[pltpu.SMEM((2,), jnp.float32)],
    )(features, ft, labr, labc, boff)


@functools.cache
def _build_sc_hist():
    mesh = plsc.VectorSubcoreMesh(core_axis_name="c", subcore_axis_name="s")
    return functools.partial(
        pl.kernel,
        out_type=jax.ShapeDtypeStruct((NW, HIST), jnp.float32),
        mesh=mesh,
        scratch_types=[
            pltpu.VMEM((CHUNK,), jnp.int32),
            pltpu.VMEM((CHUNK,), jnp.int32),
            pltpu.VMEM((HIST,), jnp.float32),
            pltpu.SemaphoreType.DMA,
            pltpu.SemaphoreType.DMA,
        ],
        compiler_params=pltpu.CompilerParams(needs_layout_passes=False),
    )(_sc_hist_body)


def _sc_hist_body(packed_hbm, out_hbm, buf0, buf1, hist_v, sem0, sem1):
    wid = lax.axis_index("s") * 2 + lax.axis_index("c")
    ones = jnp.ones((16,), jnp.float32)
    zeros = jnp.zeros((16,), jnp.float32)

    pltpu.async_copy(packed_hbm.at[wid, 0], buf0, sem0)

    def zbody(q, _):
        hist_v[pl.ds(q * 16, 16)] = zeros
        return 0
    lax.fori_loop(0, HIST // 16, zbody, 0)

    def chunk_weight(ci):
        tile = (wid * CHUNKS + ci) // CHUNKS_PER_TILE
        isdiag = tile == DIAG_TILES[0]
        for t in DIAG_TILES[1:]:
            isdiag = jnp.logical_or(isdiag, tile == t)
        return jnp.where(isdiag, 1.0, 2.0)

    def scatter_chunk(buf, ci):
        wvec = ones * chunk_weight(ci)

        @plsc.parallel_loop(0, CHUNK, step=16, unroll=UNROLL)
        def _vec_body(i):
            colv = buf[pl.ds(i, 16)]
            plsc.addupdate_scatter(hist_v, [colv], wvec)

    def pair_body(h, _):
        ci = h * 2
        nxt = pltpu.async_copy(packed_hbm.at[wid, ci + 1], buf1, sem1)
        pltpu.make_async_copy(packed_hbm.at[wid, ci], buf0, sem0).wait()
        scatter_chunk(buf0, ci)

        @pl.when(ci + 2 < CHUNKS)
        def _prefetch():
            pltpu.async_copy(packed_hbm.at[wid, ci + 2], buf0, sem0)
        nxt.wait()
        scatter_chunk(buf1, ci + 1)
        return 0
    lax.fori_loop(0, CHUNKS // 2, pair_body, 0)
    pltpu.sync_copy(hist_v, out_hbm.at[wid])


def _tc_loss_body(hist_ref, out_ref):
    h = hist_ref[...]
    tot = jnp.sum(h, axis=0, keepdims=True)
    neg = tot[:, :NUM_BINS]
    pos = tot[:, NUM_BINS:2 * NUM_BINS]
    row = lax.broadcasted_iota(jnp.int32, (NUM_BINS, NUM_BINS), 0)
    col = lax.broadcasted_iota(jnp.int32, (NUM_BINS, NUM_BINS), 1)
    upper = (row <= col).astype(jnp.float32)
    pos_cdf = jnp.dot(pos, upper, preferred_element_type=jnp.float32,
                      precision=lax.Precision.HIGHEST)
    neg_cdf = jnp.dot(neg, upper, preferred_element_type=jnp.float32,
                      precision=lax.Precision.HIGHEST)
    pos_cdf = pos_cdf / jnp.sum(pos)
    neg_cdf = neg_cdf / jnp.sum(neg)
    out_ref[0, 0] = jnp.sum(jnp.abs(pos_cdf - neg_cdf)) / NUM_BINS


def _tc_loss(hist):
    return pl.pallas_call(
        _tc_loss_body,
        out_specs=pl.BlockSpec(memory_space=pltpu.SMEM),
        out_shape=jax.ShapeDtypeStruct((1, 1), jnp.float32),
    )(hist)


def kernel(features, labels):
    ft = features.T
    labr = labels.reshape(N, 1)
    labc = labels.reshape(1, N)
    col = jnp.arange(BM, dtype=jnp.int32)
    boff = (((col % 16) + 16 * ((col // 16) % 4)) * NBP).reshape(1, BM)
    packed = _tc_idx(features, ft, labr, labc, boff)
    hist = _build_sc_hist()(packed.reshape(NW, CHUNKS, CHUNK))
    loss = _tc_loss(hist.reshape(NW * BANKS, NBP))
    return loss[0, 0]

# --- scband reference (transcript-rebuilt; emitter-appended) ---
"""Pipeline reference for scband-histogram-loss-28278064677470 (READ-ONLY COPY).

The authoritative reference and input builder live on the scoring server;
editing this copy changes nothing except your own understanding.
"""

import jax, jax.numpy as jnp
import numpy as np

NUM_STEPS = 100


def setup_inputs(seed: int = 0) -> dict:
    key = jax.random.key(seed)
    k1, k2 = jax.random.split(key)
    features = jax.random.normal(k1, (4096, 32), dtype=jnp.float32)
    labels = jax.random.randint(k2, (4096,), 0, 100, dtype=jnp.int32)
    return {"features": features, "labels": labels}


def reference(features, labels):
    # pairwise euclidean distances (torch.cdist p=2)
    sq = jnp.sum(features * features, axis=1)
    d2 = sq[:, None] + sq[None, :] - 2.0 * (features @ features.T)
    dist = jnp.sqrt(jnp.clip(d2, 0.0, None) + 1e-12)

    lab = labels.reshape(-1, 1)
    pos_mask = (lab == lab.T)
    neg_mask = jnp.logical_not(pos_mask)

    pos_min = jnp.min(jnp.where(pos_mask, dist, jnp.inf))
    neg_min = jnp.min(jnp.where(neg_mask, dist, jnp.inf))
    pos_max = jnp.max(jnp.where(pos_mask, dist, -jnp.inf))
    neg_max = jnp.max(jnp.where(neg_mask, dist, -jnp.inf))
    # torch uses .item() -> constants w.r.t. autograd
    min_dist = jax.lax.stop_gradient(jnp.minimum(pos_min, neg_min))
    max_dist = jax.lax.stop_gradient(jnp.maximum(pos_max, neg_max))

    step = (max_dist - min_dist) / NUM_STEPS
    df = dist.reshape(-1)
    idx = jnp.clip(jnp.floor((df - min_dist) / step).astype(jnp.int32), 0, NUM_STEPS - 1)

    posw = pos_mask.reshape(-1).astype(jnp.float32)
    negw = neg_mask.reshape(-1).astype(jnp.float32)
    pos_hist = jnp.zeros((NUM_STEPS,), jnp.float32).at[idx].add(posw)
    neg_hist = jnp.zeros((NUM_STEPS,), jnp.float32).at[idx].add(negw)

    pos_hist = pos_hist / jnp.sum(pos_hist)
    neg_hist = neg_hist / jnp.sum(neg_hist)
    pos_cdf = jnp.cumsum(pos_hist)
    neg_cdf = jnp.cumsum(neg_hist)
    loss = jnp.mean(jnp.abs(pos_cdf - neg_cdf))
    return loss

if __name__ == "__main__":
    import jax
    _d = setup_inputs()
    print(jax.jit(kernel)(*tuple(_d.values())))

</pallas_src>

<mosaic_0001>
#map = affine_map<(d0, d1) -> (0, 0, 0)>
#map1 = affine_map<(d0, d1) -> (0, 0)>
module attributes {stable_mosaic.version = 14 : i64} {
  func.func @_sc_hist_body(%arg0: i32, %arg1: i32, %arg2: memref<32x20x16384xi32, #tpu.memory_space<hbm>>, %arg3: memref<32x16384xf32, #tpu.memory_space<hbm>>, %arg4: memref<16384xi32, #tpu.memory_space<vmem>>, %arg5: memref<16384xi32, #tpu.memory_space<vmem>>, %arg6: memref<16384xf32, #tpu.memory_space<vmem>>, %arg7: memref<!tpu.dma_semaphore, #tpu.memory_space<semaphore_mem>>, %arg8: memref<!tpu.dma_semaphore, #tpu.memory_space<semaphore_mem>>) attributes {dimension_semantics = [#tpu.dimension_semantics<core_parallel>, #tpu.dimension_semantics<subcore_parallel>], iteration_bounds = array<i64: 2, 16>, scalar_prefetch = 0 : i64, scratch_operands = 5 : i64, tpu.core_type = #tpu.core_type<sc_vector_subcore>, window_params = [{transform_indices = #map}, {transform_indices = #map1}]} {
    %mul3A = arith.constant 2 : i32
    %mul3A_0 = arith.muli %arg1, %mul3A : i32
    %add3A = arith.addi %mul3A_0, %arg0 : i32
    %broadcast_in_dim3A = arith.constant 1.000000e+00 : f32
    %broadcast_in_dim3A_1 = vector.broadcast %broadcast_in_dim3A : f32 to vector<16xf32>
    %broadcast_in_dim3A_2 = arith.constant 0.000000e+00 : f32
    %broadcast_in_dim3A_3 = vector.broadcast %broadcast_in_dim3A_2 : f32 to vector<16xf32>
    %dma_start3A = arith.constant 0 : i32
    %dma_start3A_4 = arith.constant 0 : i32
    %dma_start3A_5 = tpu.memref_slice %arg2[%add3A, %dma_start3A, %dma_start3A_4] : memref<32x20x16384xi32, #tpu.memory_space<hbm>> -> memref<1x1x16384xi32, #tpu.memory_space<hbm>>
    %dma_start3A_6 = tpu.memref_squeeze %dma_start3A_5 : memref<1x1x16384xi32, #tpu.memory_space<hbm>> -> memref<16384xi32, #tpu.memory_space<hbm>>
    %dma_start3A_7 = arith.constant 0 : i32
    %dma_start3A_8 = tpu.memref_slice %arg2[%add3A, %dma_start3A, %dma_start3A_7] : memref<32x20x16384xi32, #tpu.memory_space<hbm>> -> memref<1x1x16384xi32, #tpu.memory_space<hbm>>
    %dma_start3A_9 = tpu.memref_squeeze %dma_start3A_8 : memref<1x1x16384xi32, #tpu.memory_space<hbm>> -> memref<16384xi32, #tpu.memory_space<hbm>>
    tpu.enqueue_dma source(%dma_start3A_9 : memref<16384xi32, #tpu.memory_space<hbm>>) target(%arg4 : memref<16384xi32, #tpu.memory_space<vmem>>) target_semaphore(%arg7 : memref<!tpu.dma_semaphore, #tpu.memory_space<semaphore_mem>>)
    %scan3A = arith.constant 0 : i32
    %scan3A_10 = arith.constant 0 : i32
    %scan3A_11 = arith.constant 1024 : i32
    %scan3A_12 = arith.addi %scan3A_10, %scan3A_11 : i32
    %scan3A_13 = arith.constant 1 : i32
    %scan3A_14 = scf.for %scan3A_23 = %scan3A_10 to %scan3A_12 step %scan3A_13 iter_args(%scan3A_24 = %scan3A) -> (i32)  : i32 {
      %mul3A_25 = arith.constant 16 : i32
      %mul3A_26 = arith.muli %scan3A_23, %mul3A_25 : i32
      %swap3A = arith.index_cast %mul3A_26 : i32 to index
      %swap3A_27 = tpu.vector_load %arg6[%swap3A] {strides = array<i32>} : memref<16384xf32, #tpu.memory_space<vmem>>, vector<16xf32>,
      tpu.vector_store %arg6[%swap3A], %broadcast_in_dim3A_3 {strides = array<i32>} : memref<16384xf32, #tpu.memory_space<vmem>>, vector<16xf32>,
      %scan3A_28 = arith.constant 0 : i32
      scf.yield %scan3A_28 : i32
    }
    %scan3A_15 = arith.constant 1024 : i32
    %scan3A_16 = arith.constant 0 : i32
    %scan3A_17 = arith.constant 0 : i32
    %scan3A_18 = arith.constant 10 : i32
    %scan3A_19 = arith.addi %scan3A_17, %scan3A_18 : i32
    %scan3A_20 = arith.constant 1 : i32
    %scan3A_21 = scf.for %scan3A_23 = %scan3A_17 to %scan3A_19 step %scan3A_20 iter_args(%scan3A_24 = %scan3A_16) -> (i32)  : i32 {
      %mul3A_25 = arith.constant 2 : i32
      %mul3A_26 = arith.muli %scan3A_23, %mul3A_25 : i32
      %add3A_27 = arith.constant 1 : i32
      %add3A_28 = arith.addi %mul3A_26, %add3A_27 : i32
      %dma_start3A_29 = arith.constant 0 : i32
      %dma_start3A_30 = tpu.memref_slice %arg2[%add3A, %add3A_28, %dma_start3A_29] : memref<32x20x16384xi32, #tpu.memory_space<hbm>> -> memref<1x1x16384xi32, #tpu.memory_space<hbm>>
      %dma_start3A_31 = tpu.memref_squeeze %dma_start3A_30 : memref<1x1x16384xi32, #tpu.memory_space<hbm>> -> memref<16384xi32, #tpu.memory_space<hbm>>
      %dma_start3A_32 = arith.constant 0 : i32
      %dma_start3A_33 = tpu.memref_slice %arg2[%add3A, %add3A_28, %dma_start3A_32] : memref<32x20x16384xi32, #tpu.memory_space<hbm>> -> memref<1x1x16384xi32, #tpu.memory_space<hbm>>
      %dma_start3A_34 = tpu.memref_squeeze %dma_start3A_33 : memref<1x1x16384xi32, #tpu.memory_space<hbm>> -> memref<16384xi32, #tpu.memory_space<hbm>>
      tpu.enqueue_dma source(%dma_start3A_34 : memref<16384xi32, #tpu.memory_space<hbm>>) target(%arg5 : memref<16384xi32, #tpu.memory_space<vmem>>) target_semaphore(%arg8 : memref<!tpu.dma_semaphore, #tpu.memory_space<semaphore_mem>>)
      %dma_wait3A = arith.constant 0 : i32
      %dma_wait3A_35 = tpu.memref_slice %arg2[%add3A, %mul3A_26, %dma_wait3A] : memref<32x20x16384xi32, #tpu.memory_space<hbm>> -> memref<1x1x16384xi32, #tpu.memory_space<hbm>>
      %dma_wait3A_36 = tpu.memref_squeeze %dma_wait3A_35 : memref<1x1x16384xi32, #tpu.memory_space<hbm>> -> memref<16384xi32, #tpu.memory_space<hbm>>
      %dma_wait3A_37 = arith.constant 0 : i32
      %dma_wait3A_38 = tpu.memref_slice %arg2[%add3A, %mul3A_26, %dma_wait3A_37] : memref<32x20x16384xi32, #tpu.memory_space<hbm>> -> memref<1x1x16384xi32, #tpu.memory_space<hbm>>
      %dma_wait3A_39 = tpu.memref_squeeze %dma_wait3A_38 : memref<1x1x16384xi32, #tpu.memory_space<hbm>> -> memref<16384xi32, #tpu.memory_space<hbm>>
      tpu.wait_dma2 semaphore(%arg7 : memref<!tpu.dma_semaphore, #tpu.memory_space<semaphore_mem>>) src(%dma_wait3A_39 : memref<16384xi32, #tpu.memory_space<hbm>>) dst(%arg4 : memref<16384xi32, #tpu.memory_space<vmem>>)
      %mul3A_40 = arith.constant 20 : i32
      %mul3A_41 = arith.muli %add3A, %mul3A_40 : i32
      %add3A_42 = arith.addi %mul3A_41, %mul3A_26 : i32
      %jit3A = arith.constant 64 : i32
      %div3A = arith.divsi %add3A_42, %jit3A : i32
      %sign3A = arith.constant 0 : i32
      %sign3A_43 = arith.cmpi sgt, %add3A_42, %sign3A : i32
      %sign3A_44 = arith.extui %sign3A_43 : i1 to i32
      %sign3A_45 = arith.constant 0 : i32
      %sign3A_46 = arith.cmpi slt, %add3A_42, %sign3A_45 : i32
      %sign3A_47 = arith.extui %sign3A_46 : i1 to i32
      %sign3A_48 = arith.subi %sign3A_44, %sign3A_47 : i32
      %sign3A_49 = arith.constant 0 : i32
      %sign3A_50 = arith.cmpi sgt, %jit3A, %sign3A_49 : i32
      %sign3A_51 = arith.extui %sign3A_50 : i1 to i32
      %sign3A_52 = arith.constant 0 : i32
      %sign3A_53 = arith.cmpi slt, %jit3A, %sign3A_52 : i32
      %sign3A_54 = arith.extui %sign3A_53 : i1 to i32
      %sign3A_55 = arith.subi %sign3A_51, %sign3A_54 : i32
      %ne3A = arith.cmpi ne, %sign3A_48, %sign3A_55 : i32
      %rem3A = arith.remsi %add3A_42, %jit3A : i32
      %ne3A_56 = arith.constant 0 : i32
      %ne3A_57 = arith.cmpi ne, %rem3A, %ne3A_56 : i32
      %and3A = arith.andi %ne3A, %ne3A_57 : i1
      %sub3A = arith.constant 1 : i32
      %sub3A_58 = arith.subi %div3A, %sub3A : i32
      %select_n3A = arith.select %and3A, %sub3A_58, %div3A : i32
      %eq3A = arith.constant 0 : i32
      %eq3A_59 = arith.cmpi eq, %select_n3A, %eq3A : i32
      %eq3A_60 = arith.constant 4 : i32
      %eq3A_61 = arith.cmpi eq, %select_n3A, %eq3A_60 : i32
      %or3A = arith.ori %eq3A_59, %eq3A_61 : i1
      %eq3A_62 = arith.constant 7 : i32
      %eq3A_63 = arith.cmpi eq, %select_n3A, %eq3A_62 : i32
      %or3A_64 = arith.ori %or3A, %eq3A_63 : i1
      %eq3A_65 = arith.constant 9 : i32
      %eq3A_66 = arith.cmpi eq, %select_n3A, %eq3A_65 : i32
      %or3A_67 = arith.ori %or3A_64, %eq3A_66 : i1
      %jit3A_68 = arith.constant 1.000000e+00 : f32
      %jit3A_69 = arith.constant 2.000000e+00 : f32
      %select_n3A_70 = arith.select %or3A_67, %jit3A_68, %jit3A_69 : f32
      %mul3A_71 = vector.broadcast %select_n3A_70 : f32 to vector<16xf32>
      %mul3A_72 = arith.mulf %broadcast_in_dim3A_1, %mul3A_71 : vector<16xf32>
      %parallel_loop3A = arith.constant 0 : i32
      %parallel_loop3A_73 = arith.constant 16384 : i32
      %parallel_loop3A_74 = arith.constant 16 : i32
      scf.for %parallel_loop3A_134 = %parallel_loop3A to %parallel_loop3A_73 step %parallel_loop3A_74  : i32 {
        %parallel_loop3A_135 = arith.index_cast %parallel_loop3A_134 : i32 to index
        %parallel_loop3A_136 = tpu.vector_load %arg4[%parallel_loop3A_135] {strides = array<i32>} : memref<16384xi32, #tpu.memory_space<vmem>>, vector<16xi32>,
        tpu.vector_store_idx %arg6[%parallel_loop3A_136], %mul3A_72 {add = true} : memref<16384xf32, #tpu.memory_space<vmem>>[vector<16xi32>], vector<16xf32>,
      } {sc.loop_unroll_factor = 16 : i64, sc.parallel_access}
      %add3A_75 = arith.constant 2 : i32
      %add3A_76 = arith.addi %mul3A_26, %add3A_75 : i32
      %lt3A = arith.constant 20 : i32
      %lt3A_77 = arith.cmpi slt, %add3A_76, %lt3A : i32
      %convert_element_type3A = arith.extui %lt3A_77 : i1 to i32
      %cond3A = arith.constant 0 : i32
      %cond3A_78 = arith.cmpi ne, %convert_element_type3A, %cond3A : i32
      scf.if %cond3A_78 {
        %add3A_134 = arith.constant 2 : i32
        %add3A_135 = arith.addi %mul3A_26, %add3A_134 : i32
        %dma_start3A_136 = arith.constant 0 : i32
        %dma_start3A_137 = tpu.memref_slice %arg2[%add3A, %add3A_135, %dma_start3A_136] : memref<32x20x16384xi32, #tpu.memory_space<hbm>> -> memref<1x1x16384xi32, #tpu.memory_space<hbm>>
        %dma_start3A_138 = tpu.memref_squeeze %dma_start3A_137 : memref<1x1x16384xi32, #tpu.memory_space<hbm>> -> memref<16384xi32, #tpu.memory_space<hbm>>
        %dma_start3A_139 = arith.constant 0 : i32
        %dma_start3A_140 = tpu.memref_slice %arg2[%add3A, %add3A_135, %dma_start3A_139] : memref<32x20x16384xi32, #tpu.memory_space<hbm>> -> memref<1x1x16384xi32, #tpu.memory_space<hbm>>
        %dma_start3A_141 = tpu.memref_squeeze %dma_start3A_140 : memref<1x1x16384xi32, #tpu.memory_space<hbm>> -> memref<16384xi32, #tpu.memory_space<hbm>>
        tpu.enqueue_dma source(%dma_start3A_141 : memref<16384xi32, #tpu.memory_space<hbm>>) target(%arg4 : memref<16384xi32, #tpu.memory_space<vmem>>) target_semaphore(%arg7 : memref<!tpu.dma_semaphore, #tpu.memory_space<semaphore_mem>>)
      } else {
      }
      %dma_wait3A_79 = arith.constant 0 : i32
      %dma_wait3A_80 = tpu.memref_slice %arg2[%add3A, %add3A_28, %dma_wait3A_79] : memref<32x20x16384xi32, #tpu.memory_space<hbm>> -> memref<1x1x16384xi32, #tpu.memory_space<hbm>>
      %dma_wait3A_81 = tpu.memref_squeeze %dma_wait3A_80 : memref<1x1x16384xi32, #tpu.memory_space<hbm>> -> memref<16384xi32, #tpu.memory_space<hbm>>
      %dma_wait3A_82 = arith.constant 0 : i32
      %dma_wait3A_83 = tpu.memref_slice %arg2[%add3A, %add3A_28, %dma_wait3A_82] : memref<32x20x16384xi32, #tpu.memory_space<hbm>> -> memref<1x1x16384xi32, #tpu.memory_space<hbm>>
      %dma_wait3A_84 = tpu.memref_squeeze %dma_wait3A_83 : memref<1x1x16384xi32, #tpu.memory_space<hbm>> -> memref<16384xi32, #tpu.memory_space<hbm>>
      tpu.wait_dma2 semaphore(%arg8 : memref<!tpu.dma_semaphore, #tpu.memory_space<semaphore_mem>>) src(%dma_wait3A_84 : memref<16384xi32, #tpu.memory_space<hbm>>) dst(%arg5 : memref<16384xi32, #tpu.memory_space<vmem>>)
      %add3A_85 = arith.constant 1 : i32
      %add3A_86 = arith.addi %mul3A_26, %add3A_85 : i32
      %mul3A_87 = arith.constant 20 : i32
      %mul3A_88 = arith.muli %add3A, %mul3A_87 : i32
      %add3A_89 = arith.addi %mul3A_88, %add3A_86 : i32
      %jit3A_90 = arith.constant 64 : i32
      %div3A_91 = arith.divsi %add3A_89, %jit3A_90 : i32
      %sign3A_92 = arith.constant 0 : i32
      %sign3A_93 = arith.cmpi sgt, %add3A_89, %sign3A_92 : i32
      %sign3A_94 = arith.extui %sign3A_93 : i1 to i32
      %sign3A_95 = arith.constant 0 : i32
      %sign3A_96 = arith.cmpi slt, %add3A_89, %sign3A_95 : i32
      %sign3A_97 = arith.extui %sign3A_96 : i1 to i32
      %sign3A_98 = arith.subi %sign3A_94, %sign3A_97 : i32
      %sign3A_99 = arith.constant 0 : i32
      %sign3A_100 = arith.cmpi sgt, %jit3A_90, %sign3A_99 : i32
      %sign3A_101 = arith.extui %sign3A_100 : i1 to i32
      %sign3A_102 = arith.constant 0 : i32
      %sign3A_103 = arith.cmpi slt, %jit3A_90, %sign3A_102 : i32
      %sign3A_104 = arith.extui %sign3A_103 : i1 to i32
      %sign3A_105 = arith.subi %sign3A_101, %sign3A_104 : i32
      %ne3A_106 = arith.cmpi ne, %sign3A_98, %sign3A_105 : i32
      %rem3A_107 = arith.remsi %add3A_89, %jit3A_90 : i32
      %ne3A_108 = arith.constant 0 : i32
      %ne3A_109 = arith.cmpi ne, %rem3A_107, %ne3A_108 : i32
      %and3A_110 = arith.andi %ne3A_106, %ne3A_109 : i1
      %sub3A_111 = arith.constant 1 : i32
      %sub3A_112 = arith.subi %div3A_91, %sub3A_111 : i32
      %select_n3A_113 = arith.select %and3A_110, %sub3A_112, %div3A_91 : i32
      %eq3A_114 = arith.constant 0 : i32
      %eq3A_115 = arith.cmpi eq, %select_n3A_113, %eq3A_114 : i32
      %eq3A_116 = arith.constant 4 : i32
      %eq3A_117 = arith.cmpi eq, %select_n3A_113, %eq3A_116 : i32
      %or3A_118 = arith.ori %eq3A_115, %eq3A_117 : i1
      %eq3A_119 = arith.constant 7 : i32
      %eq3A_120 = arith.cmpi eq, %select_n3A_113, %eq3A_119 : i32
      %or3A_121 = arith.ori %or3A_118, %eq3A_120 : i1
      %eq3A_122 = arith.constant 9 : i32
      %eq3A_123 = arith.cmpi eq, %select_n3A_113, %eq3A_122 : i32
      %or3A_124 = arith.ori %or3A_121, %eq3A_123 : i1
      %jit3A_125 = arith.constant 1.000000e+00 : f32
      %jit3A_126 = arith.constant 2.000000e+00 : f32
      %select_n3A_127 = arith.select %or3A_124, %jit3A_125, %jit3A_126 : f32
      %mul3A_128 = vector.broadcast %select_n3A_127 : f32 to vector<16xf32>
      %mul3A_129 = arith.mulf %broadcast_in_dim3A_1, %mul3A_128 : vector<16xf32>
      %parallel_loop3A_130 = arith.constant 0 : i32
      %parallel_loop3A_131 = arith.constant 16384 : i32
      %parallel_loop3A_132 = arith.constant 16 : i32
      scf.for %parallel_loop3A_134 = %parallel_loop3A_130 to %parallel_loop3A_131 step %parallel_loop3A_132  : i32 {
        %parallel_loop3A_135 = arith.index_cast %parallel_loop3A_134 : i32 to index
        %parallel_loop3A_136 = tpu.vector_load %arg5[%parallel_loop3A_135] {strides = array<i32>} : memref<16384xi32, #tpu.memory_space<vmem>>, vector<16xi32>,
        tpu.vector_store_idx %arg6[%parallel_loop3A_136], %mul3A_129 {add = true} : memref<16384xf32, #tpu.memory_space<vmem>>[vector<16xi32>], vector<16xf32>,
      } {sc.loop_unroll_factor = 16 : i64, sc.parallel_access}
      %scan3A_133 = arith.constant 0 : i32
      scf.yield %scan3A_133 : i32
    }
    %scan3A_22 = arith.constant 10 : i32
    "tpu.region"() ({
      %run_scoped3A = tpu.sem_alloc : memref<!tpu.dma_semaphore, #tpu.memory_space<semaphore_mem>>
      %dma_start3A_23 = arith.constant 0 : i32
      %dma_start3A_24 = tpu.memref_slice %arg3[%add3A, %dma_start3A_23] : memref<32x16384xf32, #tpu.memory_space<hbm>> -> memref<1x16384xf32, #tpu.memory_space<hbm>>
      %dma_start3A_25 = tpu.memref_squeeze %dma_start3A_24 : memref<1x16384xf32, #tpu.memory_space<hbm>> -> memref<16384xf32, #tpu.memory_space<hbm>>
      %dma_start3A_26 = arith.constant 0 : i32
      %dma_start3A_27 = tpu.memref_slice %arg3[%add3A, %dma_start3A_26] : memref<32x16384xf32, #tpu.memory_space<hbm>> -> memref<1x16384xf32, #tpu.memory_space<hbm>>
      %dma_start3A_28 = tpu.memref_squeeze %dma_start3A_27 : memref<1x16384xf32, #tpu.memory_space<hbm>> -> memref<16384xf32, #tpu.memory_space<hbm>>
      tpu.enqueue_dma source(%arg6 : memref<16384xf32, #tpu.memory_space<vmem>>) target(%dma_start3A_28 : memref<16384xf32, #tpu.memory_space<hbm>>) target_semaphore(%run_scoped3A : memref<!tpu.dma_semaphore, #tpu.memory_space<semaphore_mem>>)
      %dma_wait3A = arith.constant 0 : i32
      %dma_wait3A_29 = tpu.memref_slice %arg3[%add3A, %dma_wait3A] : memref<32x16384xf32, #tpu.memory_space<hbm>> -> memref<1x16384xf32, #tpu.memory_space<hbm>>
      %dma_wait3A_30 = tpu.memref_squeeze %dma_wait3A_29 : memref<1x16384xf32, #tpu.memory_space<hbm>> -> memref<16384xf32, #tpu.memory_space<hbm>>
      %dma_wait3A_31 = arith.constant 0 : i32
      %dma_wait3A_32 = tpu.memref_slice %arg3[%add3A, %dma_wait3A_31] : memref<32x16384xf32, #tpu.memory_space<hbm>> -> memref<1x16384xf32, #tpu.memory_space<hbm>>
      %dma_wait3A_33 = tpu.memref_squeeze %dma_wait3A_32 : memref<1x16384xf32, #tpu.memory_space<hbm>> -> memref<16384xf32, #tpu.memory_space<hbm>>
      tpu.wait_dma2 semaphore(%run_scoped3A : memref<!tpu.dma_semaphore, #tpu.memory_space<semaphore_mem>>) src(%arg6 : memref<16384xf32, #tpu.memory_space<vmem>>) dst(%dma_wait3A_33 : memref<16384xf32, #tpu.memory_space<hbm>>)
      tpu.yield
    }) : () -> ()
    return
  }
}

module attributes {stable_mosaic.version = 14 : i64} {
  func.func @_tc_idx_body(%arg0: i32, %arg1: i32, %arg2: i32, %arg3: memref<1024x32xf32, #tpu.memory_space<vmem>>, %arg4: memref<32x1024xf32, #tpu.memory_space<vmem>>, %arg5: memref<1024x1xi32, #tpu.memory_space<vmem>>, %arg6: memref<1x1024xi32, #tpu.memory_space<vmem>>, %arg7: memref<1x1024xi32, #tpu.memory_space<vmem>>, %arg8: memref<1x1024x1024xi32, #tpu.memory_space<vmem>>, %arg9: memref<2xf32, #tpu.memory_space<smem>>) attributes {dimension_semantics = [#tpu.dimension_semantics<arbitrary>, #tpu.dimension_semantics<arbitrary>, #tpu.dimension_semantics<arbitrary>], iteration_bounds = array<i64: 2, 4, 4>, scalar_prefetch = 0 : i64, scratch_operands = 1 : i64, tpu.core_type = #tpu.core_type<tc>, window_params = [{transform_indices = @transform_0, window_bounds = array<i64: 1024, 32>}, {transform_indices = @transform_1, window_bounds = array<i64: 32, 1024>}, {transform_indices = @transform_2, window_bounds = array<i64: 1024, 1>}, {transform_indices = @transform_3, window_bounds = array<i64: 1, 1024>}, {pipeline_mode = #tpu.pipeline_mode<synchronous>, transform_indices = @transform_4, window_bounds = array<i64: 1, 1024>}, {transform_indices = @transform_5, window_bounds = array<i64: 1, 1024, 1024>}]} {
    %ge3A = arith.cmpi sge, %arg2, %arg1 : i32
    %eq3A = arith.constant 0 : i32
    %eq3A_0 = arith.cmpi eq, %arg0, %eq3A : i32
    %eq3A_1 = arith.constant 0 : i32
    %eq3A_2 = arith.cmpi eq, %arg1, %eq3A_1 : i32
    %eq3A_3 = arith.constant 0 : i32
    %eq3A_4 = arith.cmpi eq, %arg2, %eq3A_3 : i32
    %and3A = arith.andi %eq3A_2, %eq3A_4 : i1
    %and3A_5 = arith.andi %eq3A_0, %and3A : i1
    %convert_element_type3A = arith.extui %and3A_5 : i1 to i32
    %cond3A = arith.constant 0 : i32
    %cond3A_6 = arith.cmpi ne, %convert_element_type3A, %cond3A : i32
    scf.if %cond3A_6 {
      %swap3A = arith.constant 0x7F800000 : f32
      %swap3A_19 = arith.constant 0 : index
      %swap3A_20 = memref.load %arg9[%swap3A_19] : memref<2xf32, #tpu.memory_space<smem>>
      memref.store %swap3A, %arg9[%swap3A_19] : memref<2xf32, #tpu.memory_space<smem>>
      %swap3A_21 = arith.constant 0xFF800000 : f32
      %swap3A_22 = arith.constant 1 : index
      %swap3A_23 = memref.load %arg9[%swap3A_22] : memref<2xf32, #tpu.memory_space<smem>>
      memref.store %swap3A_21, %arg9[%swap3A_22] : memref<2xf32, #tpu.memory_space<smem>>
    } else {
    }
    %eq3A_7 = arith.constant 0 : i32
    %eq3A_8 = arith.cmpi eq, %arg0, %eq3A_7 : i32
    %and3A_9 = arith.andi %eq3A_8, %ge3A : i1
    %convert_element_type3A_10 = arith.extui %and3A_9 : i1 to i32
    %cond3A_11 = arith.constant 0 : i32
    %cond3A_12 = arith.cmpi ne, %convert_element_type3A_10, %cond3A_11 : i32
    scf.if %cond3A_12 {
      %get3A = arith.constant 0 : index
      %get3A_19 = arith.constant 0 : index
      %get3A_20 = vector.load %arg3[%get3A, %get3A_19] : memref<1024x32xf32, #tpu.memory_space<vmem>>, vector<1024x32xf32>
      %get3A_21 = arith.constant 0 : index
      %get3A_22 = arith.constant 0 : index
      %get3A_23 = vector.load %arg4[%get3A_21, %get3A_22] : memref<32x1024xf32, #tpu.memory_space<vmem>>, vector<32x1024xf32>
      %mul3A = arith.mulf %get3A_20, %get3A_20 : vector<1024x32xf32>
      %reduce_sum3A = arith.constant dense<0.000000e+00> : vector<1024xf32>
      %reduce_sum3A_24 = vector.multi_reduction <add>, %mul3A, %reduce_sum3A [1] : vector<1024x32xf32> to vector<1024xf32>
      %broadcast_in_dim3A = vector.shape_cast %reduce_sum3A_24 : vector<1024xf32> to vector<1024x1xf32>
      %mul3A_25 = arith.mulf %get3A_23, %get3A_23 : vector<32x1024xf32>
      %reduce_sum3A_26 = arith.constant dense<0.000000e+00> : vector<1024xf32>
      %reduce_sum3A_27 = vector.multi_reduction <add>, %mul3A_25, %reduce_sum3A_26 [0] : vector<32x1024xf32> to vector<1024xf32>
      %broadcast_in_dim3A_28 = vector.shape_cast %reduce_sum3A_27 : vector<1024xf32> to vector<1x1024xf32>
      %dot_general3A = arith.constant dense<0.000000e+00> : vector<1024x1024xf32>
      %dot_general3A_29 = tpu.matmul %get3A_20, %get3A_23, %dot_general3A {dimension_numbers = #tpu.dot_dimension_numbers<[1], [0], [0], [1], [0, 0, 1, 1], [], []>, transpose_lhs_hint = false} : vector<1024x32xf32>, vector<32x1024xf32>, vector<1024x1024xf32> -> vector<1024x1024xf32>
      %add3A = vector.broadcast %broadcast_in_dim3A : vector<1024x1xf32> to vector<1024x1024xf32>
      %add3A_30 = vector.broadcast %broadcast_in_dim3A_28 : vector<1x1024xf32> to vector<1024x1024xf32>
      %add3A_31 = arith.addf %add3A, %add3A_30 : vector<1024x1024xf32>
      %mul3A_32 = arith.constant 2.000000e+00 : f32
      %mul3A_33 = vector.broadcast %mul3A_32 : f32 to vector<1024x1024xf32>
      %mul3A_34 = arith.mulf %mul3A_33, %dot_general3A_29 : vector<1024x1024xf32>
      %sub3A = arith.subf %add3A_31, %mul3A_34 : vector<1024x1024xf32>
      %max3A = arith.constant 0.000000e+00 : f32
      %max3A_35 = vector.broadcast %max3A : f32 to vector<1024x1024xf32>
      %max3A_36 = arith.maximumf %sub3A, %max3A_35 : vector<1024x1024xf32>
      %get3A_37 = arith.constant 0 : index
      %get3A_38 = memref.load %arg9[%get3A_37] : memref<2xf32, #tpu.memory_space<smem>>
      %reduce_min3A = vector.shape_cast %max3A_36 : vector<1024x1024xf32> to vector<1x1024x1024xf32>
      %reduce_min3A_39 = arith.constant dense<0x7F800000> : vector<1xf32>
      %reduce_min3A_40 = vector.multi_reduction <minimumf>, %reduce_min3A, %reduce_min3A_39 [1, 2] : vector<1x1024x1024xf32> to vector<1xf32>
      %reduce_min3A_41 = vector.shape_cast %reduce_min3A_40 : vector<1xf32> to vector<1x1x1xf32>
      %reduce_min3A_42 = vector.extract %reduce_min3A_41[0, 0, 0] : f32 from vector<1x1x1xf32>
      %min3A = arith.minimumf %get3A_38, %reduce_min3A_42 : f32
      %swap3A = arith.constant 0 : index
      %swap3A_43 = memref.load %arg9[%swap3A] : memref<2xf32, #tpu.memory_space<smem>>
      memref.store %min3A, %arg9[%swap3A] : memref<2xf32, #tpu.memory_space<smem>>
      %get3A_44 = arith.constant 1 : index
      %get3A_45 = memref.load %arg9[%get3A_44] : memref<2xf32, #tpu.memory_space<smem>>
      %reduce_max3A = vector.shape_cast %max3A_36 : vector<1024x1024xf32> to vector<1x1024x1024xf32>
      %reduce_max3A_46 = arith.constant dense<0xFF800000> : vector<1xf32>
      %reduce_max3A_47 = vector.multi_reduction <maximumf>, %reduce_max3A, %reduce_max3A_46 [1, 2] : vector<1x1024x1024xf32> to vector<1xf32>
      %reduce_max3A_48 = vector.shape_cast %reduce_max3A_47 : vector<1xf32> to vector<1x1x1xf32>
      %reduce_max3A_49 = vector.extract %reduce_max3A_48[0, 0, 0] : f32 from vector<1x1x1xf32>
      %max3A_50 = arith.maximumf %get3A_45, %reduce_max3A_49 : f32
      %swap3A_51 = arith.constant 1 : index
      %swap3A_52 = memref.load %arg9[%swap3A_51] : memref<2xf32, #tpu.memory_space<smem>>
      memref.store %max3A_50, %arg9[%swap3A_51] : memref<2xf32, #tpu.memory_space<smem>>
    } else {
    }
    %eq3A_13 = arith.constant 1 : i32
    %eq3A_14 = arith.cmpi eq, %arg0, %eq3A_13 : i32
    %and3A_15 = arith.andi %eq3A_14, %ge3A : i1
    %convert_element_type3A_16 = arith.extui %and3A_15 : i1 to i32
    %cond3A_17 = arith.constant 0 : i32
    %cond3A_18 = arith.cmpi ne, %convert_element_type3A_16, %cond3A_17 : i32
    scf.if %cond3A_18 {
      %get3A = arith.constant 0 : index
      %get3A_19 = arith.constant 0 : index
      %get3A_20 = vector.load %arg3[%get3A, %get3A_19] : memref<1024x32xf32, #tpu.memory_space<vmem>>, vector<1024x32xf32>
      %get3A_21 = arith.constant 0 : index
      %get3A_22 = arith.constant 0 : index
      %get3A_23 = vector.load %arg4[%get3A_21, %get3A_22] : memref<32x1024xf32, #tpu.memory_space<vmem>>, vector<32x1024xf32>
      %mul3A = arith.mulf %get3A_20, %get3A_20 : vector<1024x32xf32>
      %reduce_sum3A = arith.constant dense<0.000000e+00> : vector<1024xf32>
      %reduce_sum3A_24 = vector.multi_reduction <add>, %mul3A, %reduce_sum3A [1] : vector<1024x32xf32> to vector<1024xf32>
      %broadcast_in_dim3A = vector.shape_cast %reduce_sum3A_24 : vector<1024xf32> to vector<1024x1xf32>
      %mul3A_25 = arith.mulf %get3A_23, %get3A_23 : vector<32x1024xf32>
      %reduce_sum3A_26 = arith.constant dense<0.000000e+00> : vector<1024xf32>
      %reduce_sum3A_27 = vector.multi_reduction <add>, %mul3A_25, %reduce_sum3A_26 [0] : vector<32x1024xf32> to vector<1024xf32>
      %broadcast_in_dim3A_28 = vector.shape_cast %reduce_sum3A_27 : vector<1024xf32> to vector<1x1024xf32>
      %dot_general3A = arith.constant dense<0.000000e+00> : vector<1024x1024xf32>
      %dot_general3A_29 = tpu.matmul %get3A_20, %get3A_23, %dot_general3A {dimension_numbers = #tpu.dot_dimension_numbers<[1], [0], [0], [1], [0, 0, 1, 1], [], []>, transpose_lhs_hint = false} : vector<1024x32xf32>, vector<32x1024xf32>, vector<1024x1024xf32> -> vector<1024x1024xf32>
      %add3A = vector.broadcast %broadcast_in_dim3A : vector<1024x1xf32> to vector<1024x1024xf32>
      %add3A_30 = vector.broadcast %broadcast_in_dim3A_28 : vector<1x1024xf32> to vector<1024x1024xf32>
      %add3A_31 = arith.addf %add3A, %add3A_30 : vector<1024x1024xf32>
      %mul3A_32 = arith.constant 2.000000e+00 : f32
      %mul3A_33 = vector.broadcast %mul3A_32 : f32 to vector<1024x1024xf32>
      %mul3A_34 = arith.mulf %mul3A_33, %dot_general3A_29 : vector<1024x1024xf32>
      %sub3A = arith.subf %add3A_31, %mul3A_34 : vector<1024x1024xf32>
      %max3A = arith.constant 0.000000e+00 : f32
      %max3A_35 = vector.broadcast %max3A : f32 to vector<1024x1024xf32>
      %max3A_36 = arith.maximumf %sub3A, %max3A_35 : vector<1024x1024xf32>
      %add3A_37 = arith.constant 9.99999996E-13 : f32
      %add3A_38 = vector.broadcast %add3A_37 : f32 to vector<1024x1024xf32>
      %add3A_39 = arith.addf %max3A_36, %add3A_38 : vector<1024x1024xf32>
      %rsqrt3A = math.rsqrt %add3A_39 : vector<1024x1024xf32>
      %mul3A_40 = arith.constant 5.000000e-01 : f32
      %mul3A_41 = vector.broadcast %mul3A_40 : f32 to vector<1024x1024xf32>
      %mul3A_42 = arith.mulf %mul3A_41, %add3A_39 : vector<1024x1024xf32>
      %mul3A_43 = arith.mulf %mul3A_42, %rsqrt3A : vector<1024x1024xf32>
      %mul3A_44 = arith.mulf %mul3A_43, %rsqrt3A : vector<1024x1024xf32>
      %sub3A_45 = arith.constant 1.500000e+00 : f32
      %sub3A_46 = vector.broadcast %sub3A_45 : f32 to vector<1024x1024xf32>
      %sub3A_47 = arith.subf %sub3A_46, %mul3A_44 : vector<1024x1024xf32>
      %mul3A_48 = arith.mulf %rsqrt3A, %sub3A_47 : vector<1024x1024xf32>
      %mul3A_49 = arith.mulf %add3A_39, %mul3A_48 : vector<1024x1024xf32>
      %get3A_50 = arith.constant 0 : index
      %get3A_51 = memref.load %arg9[%get3A_50] : memref<2xf32, #tpu.memory_space<smem>>
      %add3A_52 = arith.constant 9.99999996E-13 : f32
      %add3A_53 = arith.addf %get3A_51, %add3A_52 : f32
      %rsqrt3A_54 = math.rsqrt %add3A_53 : f32
      %mul3A_55 = arith.constant 5.000000e-01 : f32
      %mul3A_56 = arith.mulf %mul3A_55, %add3A_53 : f32
      %mul3A_57 = arith.mulf %mul3A_56, %rsqrt3A_54 : f32
      %mul3A_58 = arith.mulf %mul3A_57, %rsqrt3A_54 : f32
      %sub3A_59 = arith.constant 1.500000e+00 : f32
      %sub3A_60 = arith.subf %sub3A_59, %mul3A_58 : f32
      %mul3A_61 = arith.mulf %rsqrt3A_54, %sub3A_60 : f32
      %mul3A_62 = arith.mulf %add3A_53, %mul3A_61 : f32
      %get3A_63 = arith.constant 1 : index
      %get3A_64 = memref.load %arg9[%get3A_63] : memref<2xf32, #tpu.memory_space<smem>>
      %add3A_65 = arith.constant 9.99999996E-13 : f32
      %add3A_66 = arith.addf %get3A_64, %add3A_65 : f32
      %rsqrt3A_67 = math.rsqrt %add3A_66 : f32
      %mul3A_68 = arith.constant 5.000000e-01 : f32
      %mul3A_69 = arith.mulf %mul3A_68, %add3A_66 : f32
      %mul3A_70 = arith.mulf %mul3A_69, %rsqrt3A_67 : f32
      %mul3A_71 = arith.mulf %mul3A_70, %rsqrt3A_67 : f32
      %sub3A_72 = arith.constant 1.500000e+00 : f32
      %sub3A_73 = arith.subf %sub3A_72, %mul3A_71 : f32
      %mul3A_74 = arith.mulf %rsqrt3A_67, %sub3A_73 : f32
      %mul3A_75 = arith.mulf %add3A_66, %mul3A_74 : f32
      %sub3A_76 = arith.subf %mul3A_75, %mul3A_62 : f32
      %mul3A_77 = arith.constant 0.00999999977 : f32
      %mul3A_78 = arith.mulf %sub3A_76, %mul3A_77 : f32
      %div3A = arith.constant 1.000000e+00 : f32
      %div3A_79 = arith.divf %div3A, %mul3A_78 : f32
      %mul3A_80 = arith.mulf %mul3A_78, %div3A_79 : f32
      %sub3A_81 = arith.constant 2.000000e+00 : f32
      %sub3A_82 = arith.subf %sub3A_81, %mul3A_80 : f32
      %mul3A_83 = arith.mulf %div3A_79, %sub3A_82 : f32
      %sub3A_84 = vector.broadcast %mul3A_62 : f32 to vector<1024x1024xf32>
      %sub3A_85 = arith.subf %mul3A_49, %sub3A_84 : vector<1024x1024xf32>
      %mul3A_86 = vector.broadcast %mul3A_83 : f32 to vector<1024x1024xf32>
      %mul3A_87 = arith.mulf %sub3A_85, %mul3A_86 : vector<1024x1024xf32>
      %floor3A = math.floor %mul3A_87 : vector<1024x1024xf32>
      %convert_element_type3A_88 = arith.fptosi %floor3A : vector<1024x1024xf32> to vector<1024x1024xi32>
      %jit3A = arith.constant 0 : i32
      %jit3A_89 = arith.constant 99 : i32
      %max3A_90 = vector.broadcast %jit3A : i32 to vector<1024x1024xi32>
      %max3A_91 = arith.maxsi %max3A_90, %convert_element_type3A_88 : vector<1024x1024xi32>
      %min3A = vector.broadcast %jit3A_89 : i32 to vector<1024x1024xi32>
      %min3A_92 = arith.minsi %min3A, %max3A_91 : vector<1024x1024xi32>
      %get3A_93 = arith.constant 0 : index
      %get3A_94 = arith.constant 0 : index
      %get3A_95 = vector.load %arg5[%get3A_93, %get3A_94] : memref<1024x1xi32, #tpu.memory_space<vmem>>, vector<1024x1xi32>
      %get3A_96 = arith.constant 0 : index
      %get3A_97 = arith.constant 0 : index
      %get3A_98 = vector.load %arg6[%get3A_96, %get3A_97] : memref<1x1024xi32, #tpu.memory_space<vmem>>, vector<1x1024xi32>
      %eq3A_99 = vector.broadcast %get3A_95 : vector<1024x1xi32> to vector<1024x1024xi32>
      %eq3A_100 = vector.broadcast %get3A_98 : vector<1x1024xi32> to vector<1024x1024xi32>
      %eq3A_101 = arith.cmpi eq, %eq3A_99, %eq3A_100 : vector<1024x1024xi32>
      %jit3A_102 = arith.constant 100 : i32
      %jit3A_103 = arith.constant 0 : i32
      %broadcast_in_dim3A_104 = vector.broadcast %jit3A_102 : i32 to vector<1024x1024xi32>
      %broadcast_in_dim3A_105 = vector.broadcast %jit3A_103 : i32 to vector<1024x1024xi32>
      %select_n3A = arith.select %eq3A_101, %broadcast_in_dim3A_104, %broadcast_in_dim3A_105 : vector<1024x1024xi1>, vector<1024x1024xi32>
      %add3A_106 = arith.addi %min3A_92, %select_n3A : vector<1024x1024xi32>
      %get3A_107 = arith.constant 0 : index
      %get3A_108 = arith.constant 0 : index
      %get3A_109 = vector.load %arg7[%get3A_107, %get3A_108] : memref<1x1024xi32, #tpu.memory_space<vmem>>, vector<1x1024xi32>
      %add3A_110 = vector.broadcast %get3A_109 : vector<1x1024xi32> to vector<1024x1024xi32>
      %add3A_111 = arith.addi %add3A_106, %add3A_110 : vector<1024x1024xi32>
      %broadcast_in_dim3A_112 = vector.shape_cast %add3A_111 : vector<1024x1024xi32> to vector<1x1024x1024xi32>
      %swap3A = arith.constant 0 : index
      %swap3A_113 = arith.constant 0 : index
      %swap3A_114 = arith.constant 0 : index
      %swap3A_115 = vector.load %arg8[%swap3A, %swap3A_113, %swap3A_114] : memref<1x1024x1024xi32, #tpu.memory_space<vmem>>, vector<1x1024x1024xi32>
      tpu.vector_store %arg8[%swap3A, %swap3A_113, %swap3A_114], %broadcast_in_dim3A_112 {strides = array<i32>} : memref<1x1024x1024xi32, #tpu.memory_space<vmem>>, vector<1x1024x1024xi32>,
    } else {
    }
    return
  }
  func.func @transform_0(%arg0: i32, %arg1: i32, %arg2: i32) -> (i32, i32) {
    %c0_i32 = arith.constant 0 : i32
    %c0_i32_0 = arith.constant 0 : i32
    return %arg1, %c0_i32 : i32, i32
  }
  func.func @transform_1(%arg0: i32, %arg1: i32, %arg2: i32) -> (i32, i32) {
    %c0_i32 = arith.constant 0 : i32
    %c0_i32_0 = arith.constant 0 : i32
    return %c0_i32, %arg2 : i32, i32
  }
  func.func @transform_2(%arg0: i32, %arg1: i32, %arg2: i32) -> (i32, i32) {
    %c0_i32 = arith.constant 0 : i32
    %c0_i32_0 = arith.constant 0 : i32
    return %arg1, %c0_i32 : i32, i32
  }
  func.func @transform_3(%arg0: i32, %arg1: i32, %arg2: i32) -> (i32, i32) {
    %c0_i32 = arith.constant 0 : i32
    %c0_i32_0 = arith.constant 0 : i32
    return %c0_i32, %arg2 : i32, i32
  }
  func.func @transform_4(%arg0: i32, %arg1: i32, %arg2: i32) -> (i32, i32) {
    %c0_i32 = arith.constant 0 : i32
    %c0_i32_0 = arith.constant 0 : i32
    %c0_i32_1 = arith.constant 0 : i32
    return %c0_i32, %c0_i32_0 : i32, i32
  }
  func.func @transform_5(%arg0: i32, %arg1: i32, %arg2: i32) -> (i32, i32, i32) {
    %mul3A = arith.constant 4 : i32
    %mul3A_0 = arith.muli %arg1, %mul3A : i32
    %add3A = arith.addi %mul3A_0, %arg2 : i32
    %add3A_1 = arith.constant 1 : i32
    %add3A_2 = arith.addi %arg1, %add3A_1 : i32
    %mul3A_3 = arith.muli %arg1, %add3A_2 : i32
    %jit3A = arith.constant 2 : i32
    %div3A = arith.divsi %mul3A_3, %jit3A : i32
    %sign3A = arith.constant 0 : i32
    %sign3A_4 = arith.cmpi sgt, %mul3A_3, %sign3A : i32
    %sign3A_5 = arith.extui %sign3A_4 : i1 to i32
    %sign3A_6 = arith.constant 0 : i32
    %sign3A_7 = arith.cmpi slt, %mul3A_3, %sign3A_6 : i32
    %sign3A_8 = arith.extui %sign3A_7 : i1 to i32
    %sign3A_9 = arith.subi %sign3A_5, %sign3A_8 : i32
    %sign3A_10 = arith.constant 0 : i32
    %sign3A_11 = arith.cmpi sgt, %jit3A, %sign3A_10 : i32
    %sign3A_12 = arith.extui %sign3A_11 : i1 to i32
    %sign3A_13 = arith.constant 0 : i32
    %sign3A_14 = arith.cmpi slt, %jit3A, %sign3A_13 : i32
    %sign3A_15 = arith.extui %sign3A_14 : i1 to i32
    %sign3A_16 = arith.subi %sign3A_12, %sign3A_15 : i32
    %ne3A = arith.cmpi ne, %sign3A_9, %sign3A_16 : i32
    %rem3A = arith.remsi %mul3A_3, %jit3A : i32
    %ne3A_17 = arith.constant 0 : i32
    %ne3A_18 = arith.cmpi ne, %rem3A, %ne3A_17 : i32
    %and3A = arith.andi %ne3A, %ne3A_18 : i1
    %sub3A = arith.constant 1 : i32
    %sub3A_19 = arith.subi %div3A, %sub3A : i32
    %select_n3A = arith.select %and3A, %sub3A_19, %div3A : i32
    %sub3A_20 = arith.subi %add3A, %select_n3A : i32
    %mul3A_21 = arith.constant 4 : i32
    %mul3A_22 = arith.muli %arg1, %mul3A_21 : i32
    %add3A_23 = arith.addi %mul3A_22, %arg1 : i32
    %add3A_24 = arith.constant 1 : i32
    %add3A_25 = arith.addi %arg1, %add3A_24 : i32
    %mul3A_26 = arith.muli %arg1, %add3A_25 : i32
    %jit3A_27 = arith.constant 2 : i32
    %div3A_28 = arith.divsi %mul3A_26, %jit3A_27 : i32
    %sign3A_29 = arith.constant 0 : i32
    %sign3A_30 = arith.cmpi sgt, %mul3A_26, %sign3A_29 : i32
    %sign3A_31 = arith.extui %sign3A_30 : i1 to i32
    %sign3A_32 = arith.constant 0 : i32
    %sign3A_33 = arith.cmpi slt, %mul3A_26, %sign3A_32 : i32
    %sign3A_34 = arith.extui %sign3A_33 : i1 to i32
    %sign3A_35 = arith.subi %sign3A_31, %sign3A_34 : i32
    %sign3A_36 = arith.constant 0 : i32
    %sign3A_37 = arith.cmpi sgt, %jit3A_27, %sign3A_36 : i32
    %sign3A_38 = arith.extui %sign3A_37 : i1 to i32
    %sign3A_39 = arith.constant 0 : i32
    %sign3A_40 = arith.cmpi slt, %jit3A_27, %sign3A_39 : i32
    %sign3A_41 = arith.extui %sign3A_40 : i1 to i32
    %sign3A_42 = arith.subi %sign3A_38, %sign3A_41 : i32
    %ne3A_43 = arith.cmpi ne, %sign3A_35, %sign3A_42 : i32
    %rem3A_44 = arith.remsi %mul3A_26, %jit3A_27 : i32
    %ne3A_45 = arith.constant 0 : i32
    %ne3A_46 = arith.cmpi ne, %rem3A_44, %ne3A_45 : i32
    %and3A_47 = arith.andi %ne3A_43, %ne3A_46 : i1
    %sub3A_48 = arith.constant 1 : i32
    %sub3A_49 = arith.subi %div3A_28, %sub3A_48 : i32
    %select_n3A_50 = arith.select %and3A_47, %sub3A_49, %div3A_28 : i32
    %sub3A_51 = arith.subi %add3A_23, %select_n3A_50 : i32
    %ge3A = arith.cmpi sge, %arg2, %arg1 : i32
    %select_n3A_52 = arith.select %ge3A, %sub3A_20, %sub3A_51 : i32
    %c0_i32 = arith.constant 0 : i32
    %c0_i32_53 = arith.constant 0 : i32
    %c0_i32_54 = arith.constant 0 : i32
    return %select_n3A_52, %c0_i32, %c0_i32_53 : i32, i32, i32
  }
}

module attributes {stable_mosaic.version = 14 : i64} {
  func.func @_tc_loss_body(%arg0: memref<2048x256xf32, #tpu.memory_space<vmem>>, %arg1: memref<1x1xf32, #tpu.memory_space<smem>>) attributes {dimension_semantics = [], scalar_prefetch = 0 : i64, scratch_operands = 0 : i64, tpu.core_type = #tpu.core_type<tc>} {
    %get3A = arith.constant 0 : index
    %get3A_0 = arith.constant 0 : index
    %get3A_1 = vector.load %arg0[%get3A, %get3A_0] : memref<2048x256xf32, #tpu.memory_space<vmem>>, vector<2048x256xf32>
    %reduce_sum3A = arith.constant dense<0.000000e+00> : vector<256xf32>
    %reduce_sum3A_2 = vector.multi_reduction <add>, %get3A_1, %reduce_sum3A [0] : vector<2048x256xf32> to vector<256xf32>
    %broadcast_in_dim3A = vector.shape_cast %reduce_sum3A_2 : vector<256xf32> to vector<1x256xf32>
    %slice3A = vector.extract_strided_slice %broadcast_in_dim3A {offsets = [0, 0], sizes = [1, 100], strides = [1, 1]} : vector<1x256xf32> to vector<1x100xf32>
    %slice3A_3 = vector.extract_strided_slice %broadcast_in_dim3A {offsets = [0, 100], sizes = [1, 100], strides = [1, 1]} : vector<1x256xf32> to vector<1x100xf32>
    %iota3A = tpu.iota {dimensions = array<i32: 0>} : vector<100x100xi32>
    %iota3A_4 = tpu.iota {dimensions = array<i32: 1>} : vector<100x100xi32>
    %le3A = arith.cmpi sle, %iota3A, %iota3A_4 : vector<100x100xi32>
    %convert_element_type3A = arith.extui %le3A : vector<100x100xi1> to vector<100x100xi32>
    %convert_element_type3A_5 = arith.sitofp %convert_element_type3A : vector<100x100xi32> to vector<100x100xf32>
    %dot_general3A = arith.constant dense<0.000000e+00> : vector<1x100xf32>
    %dot_general3A_6 = tpu.matmul %slice3A_3, %convert_element_type3A_5, %dot_general3A {dimension_numbers = #tpu.dot_dimension_numbers<[1], [0], [0], [1], [0, 0, 1, 1], [], []>, precision = #tpu.contract_precision<fp32>, transpose_lhs_hint = false} : vector<1x100xf32>, vector<100x100xf32>, vector<1x100xf32> -> vector<1x100xf32>
    %dot_general3A_7 = arith.constant dense<0.000000e+00> : vector<1x100xf32>
    %dot_general3A_8 = tpu.matmul %slice3A, %convert_element_type3A_5, %dot_general3A_7 {dimension_numbers = #tpu.dot_dimension_numbers<[1], [0], [0], [1], [0, 0, 1, 1], [], []>, precision = #tpu.contract_precision<fp32>, transpose_lhs_hint = false} : vector<1x100xf32>, vector<100x100xf32>, vector<1x100xf32> -> vector<1x100xf32>
    %reduce_sum3A_9 = vector.shape_cast %slice3A_3 : vector<1x100xf32> to vector<1x1x100xf32>
    %reduce_sum3A_10 = arith.constant dense<0.000000e+00> : vector<1xf32>
    %reduce_sum3A_11 = vector.multi_reduction <add>, %reduce_sum3A_9, %reduce_sum3A_10 [1, 2] : vector<1x1x100xf32> to vector<1xf32>
    %reduce_sum3A_12 = vector.shape_cast %reduce_sum3A_11 : vector<1xf32> to vector<1x1x1xf32>
    %reduce_sum3A_13 = vector.extract %reduce_sum3A_12[0, 0, 0] : f32 from vector<1x1x1xf32>
    %div3A = vector.broadcast %reduce_sum3A_13 : f32 to vector<1x100xf32>
    %div3A_14 = arith.divf %dot_general3A_6, %div3A : vector<1x100xf32>
    %reduce_sum3A_15 = vector.shape_cast %slice3A : vector<1x100xf32> to vector<1x1x100xf32>
    %reduce_sum3A_16 = arith.constant dense<0.000000e+00> : vector<1xf32>
    %reduce_sum3A_17 = vector.multi_reduction <add>, %reduce_sum3A_15, %reduce_sum3A_16 [1, 2] : vector<1x1x100xf32> to vector<1xf32>
    %reduce_sum3A_18 = vector.shape_cast %reduce_sum3A_17 : vector<1xf32> to vector<1x1x1xf32>
    %reduce_sum3A_19 = vector.extract %reduce_sum3A_18[0, 0, 0] : f32 from vector<1x1x1xf32>
    %div3A_20 = vector.broadcast %reduce_sum3A_19 : f32 to vector<1x100xf32>
    %div3A_21 = arith.divf %dot_general3A_8, %div3A_20 : vector<1x100xf32>
    %sub3A = arith.subf %div3A_14, %div3A_21 : vector<1x100xf32>
    %abs3A = math.absf %sub3A : vector<1x100xf32>
    %reduce_sum3A_22 = vector.shape_cast %abs3A : vector<1x100xf32> to vector<1x1x100xf32>
    %reduce_sum3A_23 = arith.constant dense<0.000000e+00> : vector<1xf32>
    %reduce_sum3A_24 = vector.multi_reduction <add>, %reduce_sum3A_22, %reduce_sum3A_23 [1, 2] : vector<1x1x100xf32> to vector<1xf32>
    %reduce_sum3A_25 = vector.shape_cast %reduce_sum3A_24 : vector<1xf32> to vector<1x1x1xf32>
    %reduce_sum3A_26 = vector.extract %reduce_sum3A_25[0, 0, 0] : f32 from vector<1x1x1xf32>
    %div3A_27 = arith.constant 1.000000e+02 : f32
    %div3A_28 = arith.divf %reduce_sum3A_26, %div3A_27 : f32
    %swap3A = arith.constant 0 : index
    %swap3A_29 = arith.constant 0 : index
    %swap3A_30 = memref.load %arg1[%swap3A, %swap3A_29] : memref<1x1xf32, #tpu.memory_space<smem>>
    memref.store %div3A_28, %arg1[%swap3A, %swap3A_29] : memref<1x1xf32, #tpu.memory_space<smem>>
    return
  }
}

</mosaic_0001>

<sc_bundles>
// kernel: kernel.5.cloned.1.call-start
scs
__scs_entry_jumppad:
0x0: {  	(pc) =	sbr.rel $0x88, $3  }
0x1: {  	(tag) =	ssettag $0x0;
	lr =	simm.s32 $0x1  }
0x2: {  	[smem:$0x3F9F] =	sst lr;
	_ =	strace $0xD0000000  }
0x3: {  	_ = 	snop  }
0x4: {  	_ = 	snop  }
0x5: {  	_ = 	snop  }
0x6: {  	_ = 	snop  }
0x7: {  	_ = 	snop  }
__scs_overlays_trampoline_lowered:
0x8: {  	[smem:$0x3FAE] =	sst s0  }
0x9: {  	[smem:$0x3FAF] =	sst s1  }
0xa: {  	[smem:$0x3FB0] =	sst s2  }
0xb: {  	[smem:$0x3FB1] =	sst s3  }
0xc: {  	[smem:$0x3FB2] =	sst s4  }
0xd: {  	[smem:$0x3FB3] =	sst s5  }
0xe: {  	[smem:$0x3FB4] =	sst s6  }
0xf: {  	[smem:$0x3FB5] =	sst s7  }
0x10: {  	[smem:$0x3FB6] =	sst s8  }
0x11: {  	[smem:$0x3FB7] =	sst s9;
	s0 =	simm.s32 @!p0 $0x0  }
0x12: {  	s1 =	sld [smem:$0x3F9D];
	s0 =	simm.s32 @p0 $0x1  }
0x13: {  	[smem:$0x3FB8] =	sst s0;
	s0 =	simm.s32 @!p1 $0x0  }
0x14: {  	s2 =	sld [smem:$0x3F9C];
	s0 =	simm.s32 @p1 $0x1  }
0x15: {  	[smem:$0x3FB9] =	sst s0;
	s0 =	simm.s32 @!p2 $0x0  }
0x16: {  	s3 =	sld [smem:$0x3FDB];
	s0 =	simm.s32 @p2 $0x1  }
0x17: {  	s4 =	simm.s32 $0x1BF5;
	[smem:$0x3FBB] =	sst s0  }
0x18: {  	s0 =	sld [smem:$0x3F9E];
	_ =	swait.ge [sflag:s4], $0x0  }
0x19: {  	s7 =	sld [smem:$0x3F9F]  }
0x1a: {  	s8 =	sadd.s32 $0xFFFFE003, lr  }
0x1b: {  	s9 =	sadd.s32 $0xFFFFFEF7, lr;
	s5 =	simm.s32 $0xFFFFFFFF;
	p2 =	slt.u32 s8, $0xFFFFF086  }
0x1c: {  	p1 =	slt.u32 s9, $0xF7A;
	s5 =	simm.s32 @!p2 $0x0  }
0x1d: {  	s5 =	simm.s32 @p1 $0x1;
	p0 =	seq.s32 s7, s2  }
0x1e: {  	s7 =	smul.u32 @!p0 $0xF7A, s2;
	p2 =	seq.s32 @!p0 s5, $0x0  }
0x1f: {  	s9 =	smul.u32 $0xF7A, s1;
	s8 =	simm.s32 @!p0 $0x1BF5;
	p2 =	por !p2, p0  }
0x20: {  	[sflag:s8] =	ssyncset.s32 @!p0 $0xFFFFF086;
	s6 =	sadd.s32 @!p0 s3, s7;
	s7 =	simm.s32 @!p0 $0x108  }
0x21: {  	s3 =	sadd.s32 s3, s9;
	s6 =	sadd.s32 @!p0 $0x88, s6;
	s7 =	simm.s32 @p2 $0x1082  }
0x22: {  	[simem:s7], [sflag:s8] =	dma.local @!p0 [hbm:s6], $0xF7A  }
0x23: {  	s9 =	sor.u32 $0xD0000000, s2;
	s6 =	simm.s32 $0x108;
	_ =	swait.ge @!p0 [sflag:s8], $0x0  }
0x24: {  	s3 =	sadd.s32 $0x88, s3;
	s6 =	simm.s32 @!p1 $0x1082;
	[sflag:s4] =	ssyncset.s32 $0xFFFFF086  }
0x25: {  	[simem:s6], [sflag:s4] =	dma.local [hbm:s3], $0xF7A  }
0x26: {  	[smem:$0x3F9F] =	sst s1;
	(tag) =	ssettag s2;
	_ =	strace s9  }
0x27: {  	s1 =	sld [smem:$0x3FAF]  }
0x28: {  	s2 =	sld [smem:$0x3FB0]  }
0x29: {  	s4 =	sld [smem:$0x3FB2]  }
0x2a: {  	p0 =	seq.s32 s5, $0x0;
	s5 =	sld [smem:$0x3FB3]  }
0x2b: {  	s6 =	sld [smem:$0x3FB4]  }
0x2c: {  	s7 =	sld [smem:$0x3FB5]  }
0x2d: {  	s3 =	simm.s32 $0x108;
	s8 =	sld [smem:$0x3FB6]  }
0x2e: {  	s3 =	simm.s32 @!p0 $0x1082;
	s9 =	sld [smem:$0x3FB7]  }
0x2f: {  	lr =	sadd.s32 s0, s3;
	s0 =	sld [smem:$0x3FAE]  }
0x30: {  	s3 =	sld [smem:$0x3FB1]  }
0x31: {  	[smem:$0x3FBA] =	sst s10  }
0x32: {  	s10 =	sld [smem:$0x3FB8];
	_ =	sdelay $0x3  }
0x33: {  	p0 =	seq.s32 s10, $0x1;
	s10 =	sld [smem:$0x3FBA];
	_ =	sdelay $0x3  }
0x34: {  	[smem:$0x3FBA] =	sst s10  }
0x35: {  	s10 =	sld [smem:$0x3FB9];
	_ =	sdelay $0x3  }
0x36: {  	p1 =	seq.s32 s10, $0x1;
	s10 =	sld [smem:$0x3FBA];
	_ =	sdelay $0x3  }
0x37: {  	[smem:$0x3FBA] =	sst s10  }
0x38: {  	s10 =	sld [smem:$0x3FBB]  }
0x39: {  	_ = 	snop;
	(pc) =	sbr.ind lr, $3  }
0x3a: {  	_ = 	snop  }
0x3b: {  	_ = 	snop  }
0x3c: {  	p2 =	seq.s32 s10, $0x1;
	s10 =	sld [smem:$0x3FBA]  }
0x3d: {  	_ =	shalt  }
0x3e: {  	_ =	shalt  }
0x3f: {  	_ =	shalt  }
0x40: {  	_ =	shalt  }
0x41: {  	_ =	shalt  }
0x42: {  	_ =	shalt  }
0x43: {  	_ =	shalt  }
0x44: {  	_ =	shalt  }
0x45: {  	_ =	shalt  }
0x46: {  	_ =	shalt  }
0x47: {  	_ =	shalt  }
0x48: {  	_ =	shalt  }
0x49: {  	_ =	shalt  }
0x4a: {  	_ =	shalt  }
0x4b: {  	_ =	shalt  }
0x4c: {  	_ =	shalt  }
0x4d: {  	_ =	shalt  }
0x4e: {  	_ =	shalt  }
0x4f: {  	_ =	shalt  }
0x50: {  	_ =	shalt  }
0x51: {  	_ =	shalt  }
0x52: {  	_ =	shalt  }
0x53: {  	_ =	shalt  }
0x54: {  	_ =	shalt  }
0x55: {  	_ =	shalt  }
0x56: {  	_ =	shalt  }
0x57: {  	_ =	shalt  }
0x58: {  	_ =	shalt  }
0x59: {  	_ =	shalt  }
0x5a: {  	_ =	shalt  }
0x5b: {  	_ =	shalt  }
0x5c: {  	_ =	shalt  }
0x5d: {  	_ =	shalt  }
0x5e: {  	_ =	shalt  }
0x5f: {  	_ =	shalt  }
0x60: {  	_ =	shalt  }
0x61: {  	_ =	shalt  }
0x62: {  	_ =	shalt  }
0x63: {  	_ =	shalt  }
0x64: {  	_ =	shalt  }
0x65: {  	_ =	shalt  }
0x66: {  	_ =	shalt  }
0x67: {  	_ =	shalt  }
0x68: {  	_ =	shalt  }
0x69: {  	_ =	shalt  }
0x6a: {  	_ =	shalt  }
0x6b: {  	_ =	shalt  }
0x6c: {  	_ =	shalt  }
0x6d: {  	_ =	shalt  }
0x6e: {  	_ =	shalt  }
0x6f: {  	_ =	shalt  }
0x70: {  	_ =	shalt  }
0x71: {  	_ =	shalt  }
0x72: {  	_ =	shalt  }
0x73: {  	_ =	shalt  }
0x74: {  	_ =	shalt  }
0x75: {  	_ =	shalt  }
0x76: {  	_ =	shalt  }
0x77: {  	_ =	shalt  }
0x78: {  	_ =	shalt  }
0x79: {  	_ =	shalt  }
0x7a: {  	_ =	shalt  }
0x7b: {  	_ =	shalt  }
0x7c: {  	_ =	shalt  }
0x7d: {  	_ =	shalt  }
0x7e: {  	_ =	shalt  }
0x7f: {  	_ =	shalt  }
0x80: {  	_ =	shalt  }
0x81: {  	_ =	shalt  }
0x82: {  	_ =	shalt  }
0x83: {  	_ =	shalt  }
0x84: {  	_ =	shalt  }
0x85: {  	_ =	shalt  }
0x86: {  	_ =	shalt  }
0x87: {  	_ =	shalt  }
.Lfunc_end0:
.L_simem_size_0:
called_computation_lowered:
.L_overlay_start_0:
0x88: {  	s2 =	sld [smem:$0x3FD9]  }
0x89: {  	s3 =	sld [smem:$0x3FFE];
	_ =	sdelay $0x1  }
0x8a: {  	s1 =	srdreg.scid  }
0x8b: {  	s0 =	sand.u32 $0x1, s1  }
0x8c: {  	s16 =	sshll.u32 s0, $0xA;
	s2 =	sadd.s32 s3, s2  }
0x8d: {  	s2 =	sadd.s32 s2, s16  }
0x8e: {  	[smem:$0x3FC6] =	sst s2  }
0x8f: {  	_ = 	snop  }
0x90: {  	(tm) =	ssettm $0x1  }
0x91: {  	s17 =	sld [smem:$0x3FFB];
	_ =	sdelay $0x3  }
0x92: {  	_ =	strace s17  }
0x93: {  	s2 =	sld [smem:$0x3FFC];
	_ =	sdelay $0x3  }
0x94: {  	_ =	strace s2  }
0x95: {  	s2 =	sld [smem:$0x3FFD];
	_ =	sdelay $0x3  }
0x96: {  	_ =	strace s2  }
0x97: {  	_ =	strace $0x8FFFFFFF  }
0x98: {  	s18 =	sld [smem:$0x3FDB];
	_ =	sdelay $0x1  }
0x99: {  	s19 =	simm.s32 $_scs_section_size  }
0x9a: {  	s4 =	simm.s32 $_size__tile_overlayer_lowered;
	s5 =	simm.s32 $_tile_overlayer_lowered  }
0x9b: {  	s22 =	simm.s32 $0x1BFF;
	s21 =	sshll.u32 s5, $0x1;
	s2 =	sadd.s32 s19, s18  }
0x9c: {  	s6 =	simm.s32 $0x0;
	s20 =	sshll.u32 s4, $0x1;
	s4 =	sadd.s32 s21, s2  }
0x9d: {  	[timem:s6], [sflag:s22] =	dma.local [hbm:s4], s20  }
0x9e: {  	_ =	swait.ge [sflag:s22], s20  }
0x9f: {  	s3 =	ssub.s32 $0x0, s20;
	[sflag:s22] =	ssyncset.done $0x0  }
0xa0: {  	[sflag:s22] =	ssyncadd.s32 s3;
	_ =	sdelay $0x1  }
0xa1: {  	s23 =	simm.s32 $0x1B8B  }
0xa2: {  	_ =	swait.ge [sflag:s23], $0x1  }
0xa3: {  	[sflag:s23] =	ssyncset.done $0x0  }
0xa4: {  	s25 =	simm.s32 $0x1B8E;
	s24 =	sld [smem:$0x3FFE];
	[sflag:s23] =	ssyncadd.s32 $0xFFFFFFFF  }
0xa5: {  	s26 =	simm.s32 $execute0_lowered;
	[smem:$0x3FD2] =	sst s25  }
0xa6: {  	s4 =	sshll.u32 s26, $0x1;
	_ =	strace $0x80000046;
	[dreg:$0x1] =	wrdreg $0xFFFFFFFF  }
0xa7: {  	s28 =	simm.s32 $_size_execute0_lowered;
	s2 =	sadd.s32 s2, s4;
	[dreg:$0x0] =	wrdreg $0x0  }
0xa8: {  	s4 =	sshll.u32 s28, $0x1;
	[dreg:$0x2] =	wrdreg s2  }
0xa9: {  	[dreg:$0x3] =	wrdreg s4  }
0xaa: {  	[dreg:$0x4] =	wrdreg $0xC0  }
0xab: {  	_ =	task [dreg:s6], $0x5FFFF  }
0xac: {  	[dreg:$0x1] =	wrdreg $0xFFFFFFFF  }
0xad: {  	[dreg:$0x0] =	wrdreg $0x60  }
0xae: {  	[dreg:$0x2] =	wrdreg s24  }
0xaf: {  	[dreg:$0x3] =	wrdreg $0x9  }
0xb0: {  	_ =	task.clear_ibuf [dreg:s6], $0x4FFFF;
	_ =	strace $0x90000046  }
0xb1: {  	s29 =	simm.s32 $0x9;
	_ =	strace $0x80000048  }
0xb2: {  	_ =	swait.ge [sflag:s29], $0x1  }
0xb3: {  	[sflag:s29] =	ssyncadd.s32 $0xFFFFFFFF  }
0xb4: {  	_ =	strace $0x90000048  }
0xb5: {  	_ =	sfence  }
0xb6: {  	s30 =	sld [smem:$0x0];
	_ =	sdelay $0x2  }
0xb7: {  	s31 =	sshll.u32 s1, $0xD;
	s1 =	sshrl.u32 s1, $0x2  }
0xb8: {  	s3 =	sand.u32 $0x4000, s31;
	s1 =	sadd.s32 s1, s30  }
0xb9: {  	s0 =	sor.u32 s3, s0;
	s1 =	sshll.u32 s1, $0x11  }
0xba: {  	s0 =	sor.u32 s1, s0  }
0xbb: {  	s0 =	sadd.s32 $0x8F2B, s0  }
0xbc: {  	[sflag:s0] =	ssyncadd.remote.s32 $0x1  }
0xbd: {  	_ =	sfence.sel $0xFFFF  }
0xbe: {  	[dreg:$0x0] =	wrdreg $0xFFFFFFFF;
	(pc) =	sbr.abs _section_cstart, $3  }
0xbf: {  	[dreg:$0x1] =	wrdreg $0xFFFFFFFF  }
0xc0: {  	_ =	task.clear_ibuf [dreg:s6], $0x2FFFF;
	_ =	strace $0x9FFFFFFF  }
0xc1: {  	(tm) =	ssettm $0x7FFFFFFF  }
tec
execute0_lowered:
.L_overlay_start_1:
0x0: {  	(tag) =	ssettag $0x1  }
0x1: {  	s5 =	rddreg [dreg:$0x0]  }
0x2: {  	s0 =	rddreg [dreg:$0x1];
	s2 =	simm.s32 $0x0;
	s1 =	stileid.u32  }
0x3: {  	s3 =	srdreg.scid;
	s10 =	simm.s32 $0x400;
	s11 =	simm.s32 $0x4000  }
0x4: {  	s12 =	simm.s32 $0x1;
	s13 =	simm.s32 $0x8000;
	s14 =	simm.s32 $0x2  }
0x5: {  	s15 =	simm.s32 $0x3;
	s16 =	simm.s32 $0x0;
	[smem:$0x7FF] =	sst s2  }
0x6: {  	s4 =	sshll.u32 s1, $0xC;
	s6 =	sand.u32 $0x1, s3;
	s7 =	sshll.u32 s1, $0x1  }
0x7: {  	s3 =	sadd.s32 $0x140800, s5;
	_ =	strace $0x80000047;
	s7 =	sor.u32 s6, s7  }
0x8: {  	s8 =	sand.u32 $0xC000, s4;
	s6 =	ssub.s32 $0x2, s6;
	s4 =	smul.u32 $0x60000, s7  }
0x9: {  	s9 =	sshll.u32 s7, $0x4;
	s5 =	sadd.s32 s8, s5;
	s30 =	sshrl.u32 s6, $0x1  }
0xa: {  	s9 =	sand.u32 $0x70, s9;
	s8 =	ssub.s32 s6, s30;
	s6 =	smul.u32 $0x14, s7  }
0xb: {  	s31 =	sshrl.u32 s4, $0x3;
	s9 =	sadd.s32 s9, s5;
	s8 =	smax.u32 s8, $0x1  }
0xc: {  	v0 =	vimm.f32 $0.0e+00;
	s5 =	sadd.s32 s3, s31;
	s7 =	sadd.s32 $0x800, s9;
	s9 =	simm.s32 $0x80  }
.LBB2_1:
0xd: {  	[tilespmem:s2], [sflag:$0x1] =	stream.strided.gather [hbm4b:s5+s9], $0x4000, s10, s9, $0x38;
	[tilespmem:$0xC000] =	vst v63  }
0xe: {  	s17 =	simm.s32 $0x0  }
.LBB2_2:
0xf: {  	p0 =	sne.s32 s17, $0xFFC0  }
.Ltmp0:
0x10: {  	_ = 	snop;
	(pc) =	sbr.rel @p0 .LBB2_2-.Ltmp0, $3  }
0x11: {  	_ =	sdelay $0x1  }
0x12: {  	s18 =	sshra.s32 s17, $0x2  }
0x13: {  	s17 =	sadd.s32 $0x40, s17;
	[tilespmem:s18+$0x8000] =	vst v0  }
0x14: {  	s17 =	simm.s32 $0x0  }
.LBB2_4:
0x15: {  	s18 =	sshllo.u32 s17, $0x1;
	s19 =	sshll.u32 s17, $0xF  }
0x16: {  	s19 =	sand.u32 $0x60000, s19;
	s20 =	sshll.u32 s18, $0x7  }
0x17: {  	s19 =	sadd.s32 s4, s19;
	s20 =	sand.u32 $0x380, s20  }
0x18: {  	s19 =	sor.u32 s19, s20  }
0x19: {  	s19 =	sshrl.u32 s19, $0x3  }
0x1a: {  	s31 =	sadd.s32 s3, s19;
	s19 =	simm.s32 $0x80  }
0x1b: {  	[tilespmem:s11], [sflag:$0x2] =	stream.strided.gather [hbm4b:s31+s19], $0x4000, s10, s19, $0x38;
	[tilespmem:$0xC000] =	vst v63  }
0x1c: {  	_ =	swait.ge [sflag:s12], $0x4000  }
0x1d: {  	[sflag:s12] =	ssyncset.done $0x0  }
0x1e: {  	[sflag:s12] =	ssyncadd.s32 $0xFFFFC000  }
0x1f: {  	v3 =	vld [tilespmem:s19+$0x30]  }
0x20: {  	v4 =	vld [tilespmem:s19+$0x40]  }
0x21: {  	v2 =	vld [tilespmem:s19+$0xFFFFFF80]  }
0x22: {  	v5 =	vld [tilespmem:s19+$0x70]  }
0x23: {  	v6 =	vld [tilespmem:s19+$0xFFFFFFD0]  }
0x24: {  	v7 =	vld [tilespmem:s19+$0xFFFFFFE0]  }
0x25: {  	s20 =	sshll.u32 s17, $0x1;
	v8 =	vld [tilespmem:s19+$0xFFFFFFF0]  }
0x26: {  	s21 =	sadd.s32 s6, s20;
	v9 =	vld [tilespmem:s19+$0x0]  }
0x27: {  	s22 =	sshrl.u32 s21, $0x6;
	v10 =	vld [tilespmem:s19+$0x60]  }
0x28: {  	s23 =	simm.f32 $1.000000000e+00;
	s21 =	sand.u32 $0x6C0, s21;
	p0 =	seq.s32 s22, $0x7;
	v11 =	vld [tilespmem:s19+$0x50]  }
0x29: {  	p1 =	seq.s32 s21, $0x0;
	s23 =	simm.s32 @!p0 $0x40000000;
	v62 =	vld [tilespmem:s19+$0xFFFFFFA0]  }
0x2a: {  	p0 =	seq.s32 s22, $0x9;
	s23 =	simm.s32 @p1 $0x3F800000;
	v12 =	vld [tilespmem:s19+$0x20]  }
0x2b: {  	s23 =	simm.s32 @p0 $0x3F800000;
	v13 =	vld [tilespmem:s19+$0x10]  }
0x2c: {  	v1 =	vmov s23;
	v63 =	vld [tilespmem:s19+$0xFFFFFFB0]  }
0x2d: {  	[tilespmem:v2+s13+$0x0] =	vst.idx.add.f32.msk $0xffff, v1  }
0x2e: {  	[tilespmem:v5+s13+$0x0] =	vst.idx.add.f32.msk $0xffff, v1  }
0x2f: {  	v2 =	vld [tilespmem:s19+$0xFFFFFF90]  }
0x30: {  	[tilespmem:v10+s13+$0x0] =	vst.idx.add.f32.msk $0xffff, v1  }
0x31: {  	[tilespmem:v11+s13+$0x0] =	vst.idx.add.f32.msk $0xffff, v1  }
0x32: {  	[tilespmem:v4+s13+$0x0] =	vst.idx.add.f32.msk $0xffff, v1  }
0x33: {  	[tilespmem:v3+s13+$0x0] =	vst.idx.add.f32.msk $0xffff, v1  }
0x34: {  	v3 =	vld [tilespmem:s19+$0xFFFFFFC0]  }
0x35: {  	[tilespmem:v12+s13+$0x0] =	vst.idx.add.f32.msk $0xffff, v1  }
0x36: {  	[tilespmem:v13+s13+$0x0] =	vst.idx.add.f32.msk $0xffff, v1  }
0x37: {  	[tilespmem:v9+s13+$0x0] =	vst.idx.add.f32.msk $0xffff, v1  }
0x38: {  	[tilespmem:v8+s13+$0x0] =	vst.idx.add.f32.msk $0xffff, v1  }
0x39: {  	[tilespmem:v7+s13+$0x0] =	vst.idx.add.f32.msk $0xffff, v1  }
0x3a: {  	[tilespmem:v6+s13+$0x0] =	vst.idx.add.f32.msk $0xffff, v1  }
0x3b: {  	[tilespmem:v63+s13+$0x0] =	vst.idx.add.f32.msk $0xffff, v1  }
0x3c: {  	[tilespmem:v62+s13+$0x0] =	vst.idx.add.f32.msk $0xffff, v1  }
0x3d: {  	s21 =	simm.s32 $0x0;
	[tilespmem:v3+s13+$0x0] =	vst.idx.add.f32.msk $0xffff, v1  }
.LBB2_5:
0x3e: {  	s21 =	sadd.s32 $0x100, s21;
	[tilespmem:v2+s13+$0x0] =	vst.idx.add.f32.msk $0xffff, v1;
	s19 =	sadd.s32 $0x100, s19  }
0x3f: {  	v3 =	vld [tilespmem:s19+$0x30];
	p0 =	slt.u32 s21, $0x3F00  }
0x40: {  	v4 =	vld [tilespmem:s19+$0x40]  }
0x41: {  	v2 =	vld [tilespmem:s19+$0xFFFFFF80]  }
0x42: {  	v5 =	vld [tilespmem:s19+$0x70]  }
0x43: {  	v6 =	vld [tilespmem:s19+$0xFFFFFFD0]  }
0x44: {  	v7 =	vld [tilespmem:s19+$0xFFFFFFE0]  }
0x45: {  	v8 =	vld [tilespmem:s19+$0xFFFFFFF0]  }
0x46: {  	v9 =	vld [tilespmem:s19+$0x0]  }
0x47: {  	v10 =	vld [tilespmem:s19+$0x60]  }
0x48: {  	v11 =	vld [tilespmem:s19+$0x50]  }
0x49: {  	[tilespmem:v2+s13+$0x0] =	vst.idx.add.f32.msk $0xffff, v1  }
0x4a: {  	[tilespmem:v5+s13+$0x0] =	vst.idx.add.f32.msk $0xffff, v1  }
0x4b: {  	v2 =	vld [tilespmem:s19+$0xFFFFFF90]  }
0x4c: {  	v5 =	vld [tilespmem:s19+$0xFFFFFFA0]  }
0x4d: {  	v12 =	vld [tilespmem:s19+$0x20]  }
0x4e: {  	v13 =	vld [tilespmem:s19+$0x10]  }
0x4f: {  	[tilespmem:v10+s13+$0x0] =	vst.idx.add.f32.msk $0xffff, v1  }
0x50: {  	[tilespmem:v11+s13+$0x0] =	vst.idx.add.f32.msk $0xffff, v1  }
0x51: {  	[tilespmem:v4+s13+$0x0] =	vst.idx.add.f32.msk $0xffff, v1  }
0x52: {  	[tilespmem:v3+s13+$0x0] =	vst.idx.add.f32.msk $0xffff, v1  }
0x53: {  	v3 =	vld [tilespmem:s19+$0xFFFFFFC0]  }
0x54: {  	v4 =	vld [tilespmem:s19+$0xFFFFFFB0]  }
0x55: {  	[tilespmem:v12+s13+$0x0] =	vst.idx.add.f32.msk $0xffff, v1  }
0x56: {  	[tilespmem:v13+s13+$0x0] =	vst.idx.add.f32.msk $0xffff, v1  }
0x57: {  	[tilespmem:v9+s13+$0x0] =	vst.idx.add.f32.msk $0xffff, v1  }
0x58: {  	[tilespmem:v8+s13+$0x0] =	vst.idx.add.f32.msk $0xffff, v1  }
.Ltmp1:
0x59: {  	[tilespmem:v7+s13+$0x0] =	vst.idx.add.f32.msk $0xffff, v1;
	(pc) =	sbr.rel @p0 .LBB2_5-.Ltmp1, $4  }
0x5a: {  	[tilespmem:v6+s13+$0x0] =	vst.idx.add.f32.msk $0xffff, v1  }
0x5b: {  	[tilespmem:v3+s13+$0x0] =	vst.idx.add.f32.msk $0xffff, v1  }
0x5c: {  	[tilespmem:v4+s13+$0x0] =	vst.idx.add.f32.msk $0xffff, v1  }
0x5d: {  	[tilespmem:v5+s13+$0x0] =	vst.idx.add.f32.msk $0xffff, v1  }
0x5e: {  	p0 =	seq.s32 s17, $0x9  }
0x5f: {  	s19 =	sadd.s32 @!p0 $0x2, s20  }
0x60: {  	s20 =	sshll.u32 @!p0 s19, $0xE  }
0x61: {  	s19 =	sshll.u32 @!p0 s19, $0x7;
	s20 =	sand.u32 @!p0 $0xE0000, s20  }
0x62: {  	s19 =	sand.u32 @!p0 $0x300, s19;
	s20 =	sadd.s32 @!p0 s4, s20  }
0x63: {  	s19 =	sor.u32 @!p0 s19, s20  }
0x64: {  	s21 =	simm.s32 @!p0 $0x400;
	s19 =	sshrl.u32 @!p0 s19, $0x3  }
0x65: {  	[tilespmem:v2+s13+$0x0] =	vst.idx.add.f32.msk $0xffff, v1;
	s22 =	simm.s32 @!p0 $0x0;
	s20 =	simm.s32 @!p0 $0x80;
	s19 =	sadd.s32 @!p0 s3, s19  }
0x66: {  	[tilespmem:s22], [sflag:$0x1] =	stream.strided.gather @!p0 [hbm4b:s19+s20], $0x4000, s21, s20, $0x38;
	[tilespmem:$0xC000] =	vst v63  }
0x67: {  	_ =	swait.ge [sflag:s14], $0x4000  }
0x68: {  	[sflag:s14] =	ssyncset.done $0x0  }
0x69: {  	s19 =	simm.s32 $0x4080;
	[sflag:s14] =	ssyncadd.s32 $0xFFFFC000  }
0x6a: {  	v3 =	vld [tilespmem:s19+$0x30]  }
0x6b: {  	v4 =	vld [tilespmem:s19+$0x40]  }
0x6c: {  	v2 =	vld [tilespmem:s19+$0xFFFFFF80]  }
0x6d: {  	v5 =	vld [tilespmem:s19+$0x70]  }
0x6e: {  	v6 =	vld [tilespmem:s19+$0xFFFFFFD0]  }
0x6f: {  	v7 =	vld [tilespmem:s19+$0xFFFFFFE0]  }
0x70: {  	v8 =	vld [tilespmem:s19+$0xFFFFFFF0]  }
0x71: {  	s18 =	sadd.s32 s6, s18;
	v9 =	vld [tilespmem:s19+$0x0]  }
0x72: {  	s31 =	sshrl.u32 s18, $0x6;
	v10 =	vld [tilespmem:s19+$0x60]  }
0x73: {  	s18 =	sand.u32 $0x6C0, s18;
	p0 =	seq.s32 s31, $0x7;
	s21 =	simm.f32 $1.000000000e+00;
	v11 =	vld [tilespmem:s19+$0x50]  }
0x74: {  	p1 =	seq.s32 s18, $0x0;
	s21 =	simm.s32 @!p0 $0x40000000;
	v62 =	vld [tilespmem:s19+$0xFFFFFFA0]  }
0x75: {  	p0 =	seq.s32 s31, $0x9;
	s21 =	simm.s32 @p1 $0x3F800000;
	v12 =	vld [tilespmem:s19+$0x20]  }
0x76: {  	s21 =	simm.s32 @p0 $0x3F800000;
	v13 =	vld [tilespmem:s19+$0x10]  }
0x77: {  	v1 =	vmov s21;
	v63 =	vld [tilespmem:s19+$0xFFFFFFB0]  }
0x78: {  	[tilespmem:v2+s13+$0x0] =	vst.idx.add.f32.msk $0xffff, v1  }
0x79: {  	[tilespmem:v5+s13+$0x0] =	vst.idx.add.f32.msk $0xffff, v1  }
0x7a: {  	v2 =	vld [tilespmem:s19+$0xFFFFFF90]  }
0x7b: {  	[tilespmem:v10+s13+$0x0] =	vst.idx.add.f32.msk $0xffff, v1  }
0x7c: {  	[tilespmem:v11+s13+$0x0] =	vst.idx.add.f32.msk $0xffff, v1  }
0x7d: {  	[tilespmem:v4+s13+$0x0] =	vst.idx.add.f32.msk $0xffff, v1  }
0x7e: {  	[tilespmem:v3+s13+$0x0] =	vst.idx.add.f32.msk $0xffff, v1  }
0x7f: {  	v3 =	vld [tilespmem:s19+$0xFFFFFFC0]  }
0x80: {  	[tilespmem:v12+s13+$0x0] =	vst.idx.add.f32.msk $0xffff, v1  }
0x81: {  	[tilespmem:v13+s13+$0x0] =	vst.idx.add.f32.msk $0xffff, v1  }
0x82: {  	[tilespmem:v9+s13+$0x0] =	vst.idx.add.f32.msk $0xffff, v1  }
0x83: {  	[tilespmem:v8+s13+$0x0] =	vst.idx.add.f32.msk $0xffff, v1  }
0x84: {  	[tilespmem:v7+s13+$0x0] =	vst.idx.add.f32.msk $0xffff, v1  }
0x85: {  	[tilespmem:v6+s13+$0x0] =	vst.idx.add.f32.msk $0xffff, v1  }
0x86: {  	[tilespmem:v63+s13+$0x0] =	vst.idx.add.f32.msk $0xffff, v1  }
0x87: {  	[tilespmem:v62+s13+$0x0] =	vst.idx.add.f32.msk $0xffff, v1  }
0x88: {  	s18 =	simm.s32 $0x0;
	[tilespmem:v3+s13+$0x0] =	vst.idx.add.f32.msk $0xffff, v1  }
.LBB2_7:
0x89: {  	s18 =	sadd.s32 $0x100, s18;
	[tilespmem:v2+s13+$0x0] =	vst.idx.add.f32.msk $0xffff, v1;
	s19 =	sadd.s32 $0x100, s19  }
0x8a: {  	v3 =	vld [tilespmem:s19+$0x30];
	p0 =	slt.u32 s18, $0x3F00  }
0x8b: {  	v4 =	vld [tilespmem:s19+$0x40]  }
0x8c: {  	v2 =	vld [tilespmem:s19+$0xFFFFFF80]  }
0x8d: {  	v5 =	vld [tilespmem:s19+$0x70]  }
0x8e: {  	v6 =	vld [tilespmem:s19+$0xFFFFFFD0]  }
0x8f: {  	v7 =	vld [tilespmem:s19+$0xFFFFFFE0]  }
0x90: {  	v8 =	vld [tilespmem:s19+$0xFFFFFFF0]  }
0x91: {  	v9 =	vld [tilespmem:s19+$0x0]  }
0x92: {  	v10 =	vld [tilespmem:s19+$0x60]  }
0x93: {  	v11 =	vld [tilespmem:s19+$0x50]  }
0x94: {  	[tilespmem:v2+s13+$0x0] =	vst.idx.add.f32.msk $0xffff, v1  }
0x95: {  	[tilespmem:v5+s13+$0x0] =	vst.idx.add.f32.msk $0xffff, v1  }
0x96: {  	v2 =	vld [tilespmem:s19+$0xFFFFFF90]  }
0x97: {  	v5 =	vld [tilespmem:s19+$0xFFFFFFA0]  }
0x98: {  	v12 =	vld [tilespmem:s19+$0x20]  }
0x99: {  	v13 =	vld [tilespmem:s19+$0x10]  }
0x9a: {  	[tilespmem:v10+s13+$0x0] =	vst.idx.add.f32.msk $0xffff, v1  }
0x9b: {  	[tilespmem:v11+s13+$0x0] =	vst.idx.add.f32.msk $0xffff, v1  }
0x9c: {  	[tilespmem:v4+s13+$0x0] =	vst.idx.add.f32.msk $0xffff, v1  }
0x9d: {  	[tilespmem:v3+s13+$0x0] =	vst.idx.add.f32.msk $0xffff, v1  }
0x9e: {  	v3 =	vld [tilespmem:s19+$0xFFFFFFC0]  }
0x9f: {  	v4 =	vld [tilespmem:s19+$0xFFFFFFB0]  }
0xa0: {  	[tilespmem:v12+s13+$0x0] =	vst.idx.add.f32.msk $0xffff, v1  }
0xa1: {  	[tilespmem:v13+s13+$0x0] =	vst.idx.add.f32.msk $0xffff, v1  }
0xa2: {  	[tilespmem:v9+s13+$0x0] =	vst.idx.add.f32.msk $0xffff, v1  }
0xa3: {  	[tilespmem:v8+s13+$0x0] =	vst.idx.add.f32.msk $0xffff, v1  }
.Ltmp2:
0xa4: {  	[tilespmem:v7+s13+$0x0] =	vst.idx.add.f32.msk $0xffff, v1;
	(pc) =	sbr.rel @p0 .LBB2_7-.Ltmp2, $4  }
0xa5: {  	[tilespmem:v6+s13+$0x0] =	vst.idx.add.f32.msk $0xffff, v1  }
0xa6: {  	[tilespmem:v3+s13+$0x0] =	vst.idx.add.f32.msk $0xffff, v1  }
0xa7: {  	[tilespmem:v4+s13+$0x0] =	vst.idx.add.f32.msk $0xffff, v1  }
0xa8: {  	[tilespmem:v5+s13+$0x0] =	vst.idx.add.f32.msk $0xffff, v1  }
0xa9: {  	s17 =	sadd.s32 $0x1, s17  }
0xaa: {  	p0 =	sne.s32 s17, $0xA  }
.Ltmp3:
0xab: {  	_ = 	snop;
	(pc) =	sbr.rel @p0 .LBB2_4-.Ltmp3, $2  }
0xac: {  	_ =	sdelay $0x2  }
0xad: {  	[tilespmem:v2+s13+$0x0] =	vst.idx.add.f32.msk $0xffff, v1  }
0xae: {  	s16 =	sadd.s32 $0x1, s16  }
0xaf: {  	p0 =	sne.s32 s16, s8  }
.Ltmp4:
0xb0: {  	_ = 	snop;
	(pc) =	sbr.rel @p0 .LBB2_1-.Ltmp4, $4  }
0xb1: {  	[hbm4b:s7+s9] =	stream.strided.scatter [tilespmem:s13], [sflag:$0x3], $0x4000, s10, s9, $0x38;
	[tilespmem:$0xC000] =	vst v63  }
0xb2: {  	_ =	swait.ge [sflag:s15], $0x4000  }
0xb3: {  	[sflag:s15] =	ssyncset.done $0x0  }
0xb4: {  	[sflag:s15] =	ssyncadd.s32 $0xFFFFC000  }
0xb5: {  	_ =	sfence.sel $0x180000  }
0xb6: {  	[bflag:$0x0] =	sbarrier.arrive $0xFFFF  }
0xb7: {  	p0 =	sne.s32 s1, $0x0;
	_ =	strace $0x90000047  }
0xb8: {  	s0 =	sadd.s32 @!p0 $0x100000, s0;
	[bflag:$0x2] =	sbarrier.arrive $0xFFFF  }
0xb9: {  	[sflag:s0] =	ssyncadd.tile.s32 @!p0 $0x1;
	_ =	shalt  }
.Lfunc_end2:
_tile_overlayer_lowered:
.L_overlay_start_2:
0xba: {  	(tag) =	ssettag $0x2  }
0xbb: {  	s0 =	rddreg [dreg:$0x0];
	s2 =	stileid.u32  }
0xbc: {  	s1 =	rddreg [dreg:$0x1];
	p0 =	sne.s32 s2, $0x0  }
0xbd: {  	s3 =	rddreg [dreg:$0x2];
	[bflag:$0x3] =	sbarrier.arrive $0xFFFF;
	s2 =	simm.s32 @!p0 $0x1C03  }
0xbe: {  	[timem:s3], [sflag:s2] =	dma.local @!p0 [hbm:s0], s1  }
0xbf: {  	s0 =	simm.s32 @!p0 $0x3  }
0xc0: {  	_ =	swait.ge @!p0 [sflag:s0], s1  }
0xc1: {  	s1 =	ssub.s32 @!p0 $0x0, s1;
	[sflag:s0] =	ssyncset.done @!p0 $0x0  }
0xc2: {  	[sflag:s0] =	ssyncadd.s32 @!p0 s1  }
0xc3: {  	[bflag:$0x3] =	sbarrier.arrive $0xFFFF  }
0xc4: {  	_ =	shalt  }

</sc_bundles>
